<compile_context>
chip_gen: v7x
topology: tpu7x:2x2x1
jax: 0.10.2.dev20260603
libtpu: 0.0.44.dev20260713+nightly
codegen_flags: <defaults>
</compile_context>

<pallas_src>
import jax
import jax.numpy as jnp
from jax import lax
from jax.experimental import pallas as pl
from jax.experimental.pallas import tpu as pltpu
from jax.experimental.pallas import tpu_sc as plsc

B = 4096
SEQ = 200
D = 64
EMB_DIM = 64
N_EMB = 1000000
N_OUT = 1
NC = 2
NS = 16
NW = NC * NS
RPW = B // NW
S0 = 104
S1 = SEQ - S0
NBUF = 4
PAD = 256


def _pool_body(x_hbm, tbl_hbm, out_hbm, idx_v, ring_v, acc_v, *sems):
    cid = lax.axis_index("c")
    sid = lax.axis_index("s")
    wid = sid * NC + cid

    pltpu.sync_copy(x_hbm.at[pl.ds(wid * (RPW * PAD), RPW * PAD)], idx_v)

    def remap(k, carry):
        v = idx_v[pl.ds(k * 16, 16)]
        idx_v[pl.ds(k * 16, 16)] = jnp.where(v >= H, 2 * v - (2 * H - 1),
                                             2 * v)
        return carry

    lax.fori_loop(0, RPW * PAD // 16, remap, 0)

    def fire(b, row):
        pltpu.async_copy(tbl_hbm.at[idx_v.at[pl.ds(row * PAD, S0)]],
                         ring_v.at[b, pl.ds(0, S0)], sems[b])
        pltpu.async_copy(tbl_hbm.at[idx_v.at[pl.ds(row * PAD + S0, S1)]],
                         ring_v.at[b, pl.ds(S0, S1)], sems[b])

    for b in range(NBUF):
        fire(b, b)

    def outer(g, carry):
        for b in range(NBUF):
            r = g * NBUF + b
            pltpu.make_async_copy(tbl_hbm.at[pl.ds(0, SEQ)],
                                  ring_v.at[b], sems[b]).wait()

            def red(j, acc):
                a0, a1, a2, a3 = acc
                a0 = a0 + ring_v[b, j, pl.ds(0, 16)]
                a1 = a1 + ring_v[b, j, pl.ds(16, 16)]
                a2 = a2 + ring_v[b, j, pl.ds(32, 16)]
                a3 = a3 + ring_v[b, j, pl.ds(48, 16)]
                return (a0, a1, a2, a3)

            z = jnp.zeros((16,), jnp.float32)
            a0, a1, a2, a3 = lax.fori_loop(0, SEQ, red, (z, z, z, z))
            acc_v[r, pl.ds(0, 16)] = a0
            acc_v[r, pl.ds(16, 16)] = a1
            acc_v[r, pl.ds(32, 16)] = a2
            acc_v[r, pl.ds(48, 16)] = a3

            nxt = r + NBUF

            @pl.when(nxt < RPW)
            def _refire():
                fire(b, nxt)
        return carry

    lax.fori_loop(0, RPW // NBUF, outer, 0)
    pltpu.sync_copy(acc_v, out_hbm.at[pl.ds(wid * RPW, RPW)])


_POOL = pl.kernel(
    _pool_body,
    out_type=jax.ShapeDtypeStruct((B, D), jnp.float32),
    mesh=plsc.VectorSubcoreMesh(core_axis_name="c", subcore_axis_name="s"),
    scratch_types=(
        [pltpu.VMEM((RPW * PAD,), jnp.int32),
         pltpu.VMEM((NBUF, SEQ, D), jnp.float32),
         pltpu.VMEM((RPW, D), jnp.float32)]
        + [pltpu.SemaphoreType.DMA] * NBUF
    ),
    compiler_params=pltpu.CompilerParams(use_tc_tiling_on_sc=False),
)


CT = 4096
H = 124 * CT
NPAD = 2 * H


def _tr_body(ta_ref, tb_ref, o_ref):
    c = jnp.concatenate([ta_ref[...], tb_ref[...]], axis=0)
    eye = jnp.eye(2 * EMB_DIM, dtype=jnp.float32)
    dn = (((0,), (0,)), ((), ()))
    o_ref[...] = lax.dot_general(c, eye, dn,
                                 preferred_element_type=jnp.float32)


_TR = pl.pallas_call(
    _tr_body,
    grid=(H // CT,),
    in_specs=[pl.BlockSpec((EMB_DIM, CT), lambda g: (0, g)),
              pl.BlockSpec((EMB_DIM, CT),
                           lambda g: (0, jnp.minimum(g + H // CT,
                                                     (N_EMB - 1) // CT)))],
    out_specs=pl.BlockSpec((CT, 128), lambda g: (g, 0)),
    out_shape=jax.ShapeDtypeStruct((H, 128), jnp.float32),
)


def _flat_body(x_ref, o_ref):
    v = x_ref[...]
    z = jnp.zeros((B, PAD - SEQ), jnp.int32)
    o_ref[...] = jnp.concatenate([v, z], axis=1).reshape(B * PAD)


_FLAT = pl.pallas_call(
    _flat_body,
    out_shape=jax.ShapeDtypeStruct((B * PAD,), jnp.int32),
)


def _mlp_body(s_ref, w1_ref, b1_ref, w2_ref, b2_ref, wo_ref, bo_ref, o_ref):
    h = s_ref[...] * (1.0 / SEQ)
    h = jnp.maximum(
        jnp.dot(h, w1_ref[...], preferred_element_type=jnp.float32)
        + b1_ref[...], 0.0)
    h = jnp.maximum(
        jnp.dot(h, w2_ref[...], preferred_element_type=jnp.float32)
        + b2_ref[...], 0.0)
    o_ref[...] = (
        jnp.dot(h, wo_ref[...], preferred_element_type=jnp.float32)
        + bo_ref[...])


_MLP = pl.pallas_call(
    _mlp_body,
    out_shape=jax.ShapeDtypeStruct((B, N_OUT), jnp.float32),
)


def kernel(x, emb_table, W1, b1, W2, b2, W_out, b_out):
    x1 = _FLAT(x.astype(jnp.int32))
    tbl_t = emb_table.T
    tbl = _TR(tbl_t, tbl_t).reshape(-1).reshape(NPAD, D)
    sums = _POOL(x1, tbl)
    return _MLP(sums, W1, b1.reshape(1, D), W2, b2.reshape(1, D),
                W_out, b_out.reshape(1, N_OUT))

# --- scband reference (transcript-rebuilt; emitter-appended) ---
"""Pipeline reference for scband-dan-63058709839877 (READ-ONLY COPY).

The authoritative reference and input builder live on the scoring server;
editing this copy changes nothing except your own understanding.
"""

import jax, jax.numpy as jnp
import numpy as np

N_EMB = 1000000
EMB_DIM = 64
N_LAYERS = 2
N_OUTPUTS = 1
BATCH = 4096
SEQ = 200


def setup_inputs(seed: int = 0) -> dict:
    key = jax.random.key(seed)
    ks = jax.random.split(key, 8)
    x = jax.random.randint(ks[0], (BATCH, SEQ), 0, N_EMB)
    emb_table = jax.random.normal(ks[1], (N_EMB, EMB_DIM), dtype=jnp.float32) * 0.02
    emb_table = emb_table.at[0].set(0.0)  # padding_idx=0
    W1 = jax.random.normal(ks[2], (EMB_DIM, EMB_DIM), dtype=jnp.float32) * (1.0 / np.sqrt(EMB_DIM))
    b1 = jnp.zeros((EMB_DIM,), dtype=jnp.float32)
    W2 = jax.random.normal(ks[3], (EMB_DIM, EMB_DIM), dtype=jnp.float32) * (1.0 / np.sqrt(EMB_DIM))
    b2 = jnp.zeros((EMB_DIM,), dtype=jnp.float32)
    W_out = jax.random.normal(ks[4], (EMB_DIM, N_OUTPUTS), dtype=jnp.float32) * (1.0 / np.sqrt(EMB_DIM))
    b_out = jnp.zeros((N_OUTPUTS,), dtype=jnp.float32)
    return {"x": x, "emb_table": emb_table, "W1": W1, "b1": b1, "W2": W2, "b2": b2, "W_out": W_out, "b_out": b_out}


def reference(x, emb_table, W1, b1, W2, b2, W_out, b_out):
    # Embedding lookup (padding_idx row already zeroed in table)
    e = jnp.take(emb_table, x, axis=0)          # [B, L, D]
    h = e.mean(axis=1)                           # [B, D]  (deep averaging)
    # Classifier: n_layers hidden Linear+ReLU, then output Linear
    h = jax.nn.relu(h @ W1 + b1)
    h = jax.nn.relu(h @ W2 + b2)
    out = h @ W_out + b_out                      # [B, n_outputs]
    return out

if __name__ == "__main__":
    import jax
    _d = setup_inputs()
    print(jax.jit(kernel)(*tuple(_d.values())))

</pallas_src>

<mosaic_0001>
#map = affine_map<(d0, d1) -> (0)>
#map1 = affine_map<(d0, d1) -> (0, 0)>
module attributes {stable_mosaic.version = 14 : i64} {
  func.func @_pool_body(%arg0: i32, %arg1: i32, %arg2: memref<1048576xi32, #tpu.memory_space<hbm>>, %arg3: memref<1015808x64xf32, #tpu.memory_space<hbm>>, %arg4: memref<4096x64xf32, #tpu.memory_space<hbm>>, %arg5: memref<32768xi32, #tpu.memory_space<vmem>>, %arg6: memref<4x200x64xf32, #tpu.memory_space<vmem>>, %arg7: memref<128x64xf32, #tpu.memory_space<vmem>>, %arg8: memref<!tpu.dma_semaphore, #tpu.memory_space<semaphore_mem>>, %arg9: memref<!tpu.dma_semaphore, #tpu.memory_space<semaphore_mem>>, %arg10: memref<!tpu.dma_semaphore, #tpu.memory_space<semaphore_mem>>, %arg11: memref<!tpu.dma_semaphore, #tpu.memory_space<semaphore_mem>>) attributes {dimension_semantics = [#tpu.dimension_semantics<core_parallel>, #tpu.dimension_semantics<subcore_parallel>], iteration_bounds = array<i64: 2, 16>, scalar_prefetch = 0 : i64, scratch_operands = 7 : i64, tpu.core_type = #tpu.core_type<sc_vector_subcore>, window_params = [{transform_indices = #map}, {transform_indices = #map1}, {transform_indices = #map1}]} {
    %mul3A = arith.constant 2 : i32
    %mul3A_0 = arith.muli %arg1, %mul3A : i32
    %add3A = arith.addi %mul3A_0, %arg0 : i32
    %mul3A_1 = arith.constant 32768 : i32
    %mul3A_2 = arith.muli %add3A, %mul3A_1 : i32
    "tpu.region"() ({
      %run_scoped3A = tpu.sem_alloc : memref<!tpu.dma_semaphore, #tpu.memory_space<semaphore_mem>>
      %dma_start3A_95 = tpu.memref_slice %arg2[%mul3A_2] : memref<1048576xi32, #tpu.memory_space<hbm>> -> memref<32768xi32, #tpu.memory_space<hbm>>
      %dma_start3A_96 = tpu.memref_slice %arg2[%mul3A_2] : memref<1048576xi32, #tpu.memory_space<hbm>> -> memref<32768xi32, #tpu.memory_space<hbm>>
      tpu.enqueue_dma source(%dma_start3A_96 : memref<32768xi32, #tpu.memory_space<hbm>>) target(%arg5 : memref<32768xi32, #tpu.memory_space<vmem>>) target_semaphore(%run_scoped3A : memref<!tpu.dma_semaphore, #tpu.memory_space<semaphore_mem>>)
      %dma_wait3A = tpu.memref_slice %arg2[%mul3A_2] : memref<1048576xi32, #tpu.memory_space<hbm>> -> memref<32768xi32, #tpu.memory_space<hbm>>
      %dma_wait3A_97 = tpu.memref_slice %arg2[%mul3A_2] : memref<1048576xi32, #tpu.memory_space<hbm>> -> memref<32768xi32, #tpu.memory_space<hbm>>
      tpu.wait_dma2 semaphore(%run_scoped3A : memref<!tpu.dma_semaphore, #tpu.memory_space<semaphore_mem>>) src(%dma_wait3A_97 : memref<32768xi32, #tpu.memory_space<hbm>>) dst(%arg5 : memref<32768xi32, #tpu.memory_space<vmem>>)
      tpu.yield
    }) : () -> ()
    %scan3A = arith.constant 0 : i32
    %scan3A_3 = arith.constant 0 : i32
    %scan3A_4 = arith.constant 2048 : i32
    %scan3A_5 = arith.addi %scan3A_3, %scan3A_4 : i32
    %scan3A_6 = arith.constant 1 : i32
    scf.for %scan3A_95 = %scan3A_3 to %scan3A_5 step %scan3A_6  : i32 {
      %mul3A_96 = arith.constant 16 : i32
      %mul3A_97 = arith.muli %scan3A_95, %mul3A_96 : i32
      %get3A = arith.index_cast %mul3A_97 : i32 to index
      %get3A_98 = tpu.vector_load %arg5[%get3A] {strides = array<i32>} : memref<32768xi32, #tpu.memory_space<vmem>>, vector<16xi32>,
      %get3A_99 = vector.shape_cast %get3A_98 : vector<16xi32> to vector<16xi32>
      %ge3A = arith.constant 507904 : i32
      %ge3A_100 = vector.broadcast %ge3A : i32 to vector<16xi32>
      %ge3A_101 = arith.cmpi sge, %get3A_99, %ge3A_100 : vector<16xi32>
      %mul3A_102 = arith.constant 2 : i32
      %mul3A_103 = vector.broadcast %mul3A_102 : i32 to vector<16xi32>
      %mul3A_104 = arith.muli %mul3A_103, %get3A_99 : vector<16xi32>
      %sub3A = arith.constant 1015807 : i32
      %sub3A_105 = vector.broadcast %sub3A : i32 to vector<16xi32>
      %sub3A_106 = arith.subi %mul3A_104, %sub3A_105 : vector<16xi32>
      %mul3A_107 = arith.constant 2 : i32
      %mul3A_108 = vector.broadcast %mul3A_107 : i32 to vector<16xi32>
      %mul3A_109 = arith.muli %mul3A_108, %get3A_99 : vector<16xi32>
      %select_n3A = arith.select %ge3A_101, %sub3A_106, %mul3A_109 : vector<16xi1>, vector<16xi32>
      %mul3A_110 = arith.constant 16 : i32
      %mul3A_111 = arith.muli %scan3A_95, %mul3A_110 : i32
      %swap3A = arith.index_cast %mul3A_111 : i32 to index
      %swap3A_112 = tpu.vector_load %arg5[%swap3A] {strides = array<i32>} : memref<32768xi32, #tpu.memory_space<vmem>>, vector<16xi32>,
      %swap3A_113 = vector.shape_cast %swap3A_112 : vector<16xi32> to vector<16xi32>
      %swap3A_114 = vector.shape_cast %select_n3A : vector<16xi32> to vector<16xi32>
      tpu.vector_store %arg5[%swap3A], %swap3A_114 {strides = array<i32>} : memref<32768xi32, #tpu.memory_space<vmem>>, vector<16xi32>,
    }
    %scan3A_7 = arith.constant 2048 : i32
    %dma_start3A = arith.constant 0 : i32
    %dma_start3A_8 = arith.constant 0 : i32
    %dma_start3A_9 = arith.constant 0 : i32
    %dma_start3A_10 = tpu.memref_slice %arg6[%dma_start3A, %dma_start3A_8, %dma_start3A_9] : memref<4x200x64xf32, #tpu.memory_space<vmem>> -> memref<1x104x64xf32, #tpu.memory_space<vmem>>
    %dma_start3A_11 = tpu.memref_squeeze %dma_start3A_10 : memref<1x104x64xf32, #tpu.memory_space<vmem>> -> memref<104x64xf32, #tpu.memory_space<vmem>>
    %dma_start3A_12 = arith.constant 0 : i32
    %dma_start3A_13 = tpu.memref_slice %arg5[%dma_start3A_12] : memref<32768xi32, #tpu.memory_space<vmem>> -> memref<104xi32, #tpu.memory_space<vmem>>
    %dma_start3A_14 = arith.constant 0 : i32
    %dma_start3A_15 = arith.constant 0 : i32
    %dma_start3A_16 = tpu.memref_slice %arg3[%dma_start3A_14, %dma_start3A_15] : memref<1015808x64xf32, #tpu.memory_space<hbm>> -> memref<1015808x64xf32, #tpu.memory_space<hbm>>
    tpu.enqueue_indirect_dma source(%dma_start3A_16 : memref<1015808x64xf32, #tpu.memory_space<hbm>>) target(%dma_start3A_11 : memref<104x64xf32, #tpu.memory_space<vmem>>) offsets(%dma_start3A_13 : memref<104xi32, #tpu.memory_space<vmem>>) semaphore(%arg8 : memref<!tpu.dma_semaphore, #tpu.memory_space<semaphore_mem>>)
    %dma_start3A_17 = arith.constant 0 : i32
    %dma_start3A_18 = arith.constant 104 : i32
    %dma_start3A_19 = arith.constant 0 : i32
    %dma_start3A_20 = tpu.memref_slice %arg6[%dma_start3A_17, %dma_start3A_18, %dma_start3A_19] : memref<4x200x64xf32, #tpu.memory_space<vmem>> -> memref<1x96x64xf32, #tpu.memory_space<vmem>>
    %dma_start3A_21 = tpu.memref_squeeze %dma_start3A_20 : memref<1x96x64xf32, #tpu.memory_space<vmem>> -> memref<96x64xf32, #tpu.memory_space<vmem>>
    %dma_start3A_22 = arith.constant 104 : i32
    %dma_start3A_23 = tpu.memref_slice %arg5[%dma_start3A_22] : memref<32768xi32, #tpu.memory_space<vmem>> -> memref<96xi32, #tpu.memory_space<vmem>>
    %dma_start3A_24 = arith.constant 0 : i32
    %dma_start3A_25 = arith.constant 0 : i32
    %dma_start3A_26 = tpu.memref_slice %arg3[%dma_start3A_24, %dma_start3A_25] : memref<1015808x64xf32, #tpu.memory_space<hbm>> -> memref<1015808x64xf32, #tpu.memory_space<hbm>>
    tpu.enqueue_indirect_dma source(%dma_start3A_26 : memref<1015808x64xf32, #tpu.memory_space<hbm>>) target(%dma_start3A_21 : memref<96x64xf32, #tpu.memory_space<vmem>>) offsets(%dma_start3A_23 : memref<96xi32, #tpu.memory_space<vmem>>) semaphore(%arg8 : memref<!tpu.dma_semaphore, #tpu.memory_space<semaphore_mem>>)
    %dma_start3A_27 = arith.constant 1 : i32
    %dma_start3A_28 = arith.constant 0 : i32
    %dma_start3A_29 = arith.constant 0 : i32
    %dma_start3A_30 = tpu.memref_slice %arg6[%dma_start3A_27, %dma_start3A_28, %dma_start3A_29] : memref<4x200x64xf32, #tpu.memory_space<vmem>> -> memref<1x104x64xf32, #tpu.memory_space<vmem>>
    %dma_start3A_31 = tpu.memref_squeeze %dma_start3A_30 : memref<1x104x64xf32, #tpu.memory_space<vmem>> -> memref<104x64xf32, #tpu.memory_space<vmem>>
    %dma_start3A_32 = arith.constant 256 : i32
    %dma_start3A_33 = tpu.memref_slice %arg5[%dma_start3A_32] : memref<32768xi32, #tpu.memory_space<vmem>> -> memref<104xi32, #tpu.memory_space<vmem>>
    %dma_start3A_34 = arith.constant 0 : i32
    %dma_start3A_35 = arith.constant 0 : i32
    %dma_start3A_36 = tpu.memref_slice %arg3[%dma_start3A_34, %dma_start3A_35] : memref<1015808x64xf32, #tpu.memory_space<hbm>> -> memref<1015808x64xf32, #tpu.memory_space<hbm>>
    tpu.enqueue_indirect_dma source(%dma_start3A_36 : memref<1015808x64xf32, #tpu.memory_space<hbm>>) target(%dma_start3A_31 : memref<104x64xf32, #tpu.memory_space<vmem>>) offsets(%dma_start3A_33 : memref<104xi32, #tpu.memory_space<vmem>>) semaphore(%arg9 : memref<!tpu.dma_semaphore, #tpu.memory_space<semaphore_mem>>)
    %dma_start3A_37 = arith.constant 1 : i32
    %dma_start3A_38 = arith.constant 104 : i32
    %dma_start3A_39 = arith.constant 0 : i32
    %dma_start3A_40 = tpu.memref_slice %arg6[%dma_start3A_37, %dma_start3A_38, %dma_start3A_39] : memref<4x200x64xf32, #tpu.memory_space<vmem>> -> memref<1x96x64xf32, #tpu.memory_space<vmem>>
    %dma_start3A_41 = tpu.memref_squeeze %dma_start3A_40 : memref<1x96x64xf32, #tpu.memory_space<vmem>> -> memref<96x64xf32, #tpu.memory_space<vmem>>
    %dma_start3A_42 = arith.constant 360 : i32
    %dma_start3A_43 = tpu.memref_slice %arg5[%dma_start3A_42] : memref<32768xi32, #tpu.memory_space<vmem>> -> memref<96xi32, #tpu.memory_space<vmem>>
    %dma_start3A_44 = arith.constant 0 : i32
    %dma_start3A_45 = arith.constant 0 : i32
    %dma_start3A_46 = tpu.memref_slice %arg3[%dma_start3A_44, %dma_start3A_45] : memref<1015808x64xf32, #tpu.memory_space<hbm>> -> memref<1015808x64xf32, #tpu.memory_space<hbm>>
    tpu.enqueue_indirect_dma source(%dma_start3A_46 : memref<1015808x64xf32, #tpu.memory_space<hbm>>) target(%dma_start3A_41 : memref<96x64xf32, #tpu.memory_space<vmem>>) offsets(%dma_start3A_43 : memref<96xi32, #tpu.memory_space<vmem>>) semaphore(%arg9 : memref<!tpu.dma_semaphore, #tpu.memory_space<semaphore_mem>>)
    %dma_start3A_47 = arith.constant 2 : i32
    %dma_start3A_48 = arith.constant 0 : i32
    %dma_start3A_49 = arith.constant 0 : i32
    %dma_start3A_50 = tpu.memref_slice %arg6[%dma_start3A_47, %dma_start3A_48, %dma_start3A_49] : memref<4x200x64xf32, #tpu.memory_space<vmem>> -> memref<1x104x64xf32, #tpu.memory_space<vmem>>
    %dma_start3A_51 = tpu.memref_squeeze %dma_start3A_50 : memref<1x104x64xf32, #tpu.memory_space<vmem>> -> memref<104x64xf32, #tpu.memory_space<vmem>>
    %dma_start3A_52 = arith.constant 512 : i32
    %dma_start3A_53 = tpu.memref_slice %arg5[%dma_start3A_52] : memref<32768xi32, #tpu.memory_space<vmem>> -> memref<104xi32, #tpu.memory_space<vmem>>
    %dma_start3A_54 = arith.constant 0 : i32
    %dma_start3A_55 = arith.constant 0 : i32
    %dma_start3A_56 = tpu.memref_slice %arg3[%dma_start3A_54, %dma_start3A_55] : memref<1015808x64xf32, #tpu.memory_space<hbm>> -> memref<1015808x64xf32, #tpu.memory_space<hbm>>
    tpu.enqueue_indirect_dma source(%dma_start3A_56 : memref<1015808x64xf32, #tpu.memory_space<hbm>>) target(%dma_start3A_51 : memref<104x64xf32, #tpu.memory_space<vmem>>) offsets(%dma_start3A_53 : memref<104xi32, #tpu.memory_space<vmem>>) semaphore(%arg10 : memref<!tpu.dma_semaphore, #tpu.memory_space<semaphore_mem>>)
    %dma_start3A_57 = arith.constant 2 : i32
    %dma_start3A_58 = arith.constant 104 : i32
    %dma_start3A_59 = arith.constant 0 : i32
    %dma_start3A_60 = tpu.memref_slice %arg6[%dma_start3A_57, %dma_start3A_58, %dma_start3A_59] : memref<4x200x64xf32, #tpu.memory_space<vmem>> -> memref<1x96x64xf32, #tpu.memory_space<vmem>>
    %dma_start3A_61 = tpu.memref_squeeze %dma_start3A_60 : memref<1x96x64xf32, #tpu.memory_space<vmem>> -> memref<96x64xf32, #tpu.memory_space<vmem>>
    %dma_start3A_62 = arith.constant 616 : i32
    %dma_start3A_63 = tpu.memref_slice %arg5[%dma_start3A_62] : memref<32768xi32, #tpu.memory_space<vmem>> -> memref<96xi32, #tpu.memory_space<vmem>>
    %dma_start3A_64 = arith.constant 0 : i32
    %dma_start3A_65 = arith.constant 0 : i32
    %dma_start3A_66 = tpu.memref_slice %arg3[%dma_start3A_64, %dma_start3A_65] : memref<1015808x64xf32, #tpu.memory_space<hbm>> -> memref<1015808x64xf32, #tpu.memory_space<hbm>>
    tpu.enqueue_indirect_dma source(%dma_start3A_66 : memref<1015808x64xf32, #tpu.memory_space<hbm>>) target(%dma_start3A_61 : memref<96x64xf32, #tpu.memory_space<vmem>>) offsets(%dma_start3A_63 : memref<96xi32, #tpu.memory_space<vmem>>) semaphore(%arg10 : memref<!tpu.dma_semaphore, #tpu.memory_space<semaphore_mem>>)
    %dma_start3A_67 = arith.constant 3 : i32
    %dma_start3A_68 = arith.constant 0 : i32
    %dma_start3A_69 = arith.constant 0 : i32
    %dma_start3A_70 = tpu.memref_slice %arg6[%dma_start3A_67, %dma_start3A_68, %dma_start3A_69] : memref<4x200x64xf32, #tpu.memory_space<vmem>> -> memref<1x104x64xf32, #tpu.memory_space<vmem>>
    %dma_start3A_71 = tpu.memref_squeeze %dma_start3A_70 : memref<1x104x64xf32, #tpu.memory_space<vmem>> -> memref<104x64xf32, #tpu.memory_space<vmem>>
    %dma_start3A_72 = arith.constant 768 : i32
    %dma_start3A_73 = tpu.memref_slice %arg5[%dma_start3A_72] : memref<32768xi32, #tpu.memory_space<vmem>> -> memref<104xi32, #tpu.memory_space<vmem>>
    %dma_start3A_74 = arith.constant 0 : i32
    %dma_start3A_75 = arith.constant 0 : i32
    %dma_start3A_76 = tpu.memref_slice %arg3[%dma_start3A_74, %dma_start3A_75] : memref<1015808x64xf32, #tpu.memory_space<hbm>> -> memref<1015808x64xf32, #tpu.memory_space<hbm>>
    tpu.enqueue_indirect_dma source(%dma_start3A_76 : memref<1015808x64xf32, #tpu.memory_space<hbm>>) target(%dma_start3A_71 : memref<104x64xf32, #tpu.memory_space<vmem>>) offsets(%dma_start3A_73 : memref<104xi32, #tpu.memory_space<vmem>>) semaphore(%arg11 : memref<!tpu.dma_semaphore, #tpu.memory_space<semaphore_mem>>)
    %dma_start3A_77 = arith.constant 3 : i32
    %dma_start3A_78 = arith.constant 104 : i32
    %dma_start3A_79 = arith.constant 0 : i32
    %dma_start3A_80 = tpu.memref_slice %arg6[%dma_start3A_77, %dma_start3A_78, %dma_start3A_79] : memref<4x200x64xf32, #tpu.memory_space<vmem>> -> memref<1x96x64xf32, #tpu.memory_space<vmem>>
    %dma_start3A_81 = tpu.memref_squeeze %dma_start3A_80 : memref<1x96x64xf32, #tpu.memory_space<vmem>> -> memref<96x64xf32, #tpu.memory_space<vmem>>
    %dma_start3A_82 = arith.constant 872 : i32
    %dma_start3A_83 = tpu.memref_slice %arg5[%dma_start3A_82] : memref<32768xi32, #tpu.memory_space<vmem>> -> memref<96xi32, #tpu.memory_space<vmem>>
    %dma_start3A_84 = arith.constant 0 : i32
    %dma_start3A_85 = arith.constant 0 : i32
    %dma_start3A_86 = tpu.memref_slice %arg3[%dma_start3A_84, %dma_start3A_85] : memref<1015808x64xf32, #tpu.memory_space<hbm>> -> memref<1015808x64xf32, #tpu.memory_space<hbm>>
    tpu.enqueue_indirect_dma source(%dma_start3A_86 : memref<1015808x64xf32, #tpu.memory_space<hbm>>) target(%dma_start3A_81 : memref<96x64xf32, #tpu.memory_space<vmem>>) offsets(%dma_start3A_83 : memref<96xi32, #tpu.memory_space<vmem>>) semaphore(%arg11 : memref<!tpu.dma_semaphore, #tpu.memory_space<semaphore_mem>>)
    %scan3A_87 = arith.constant 0 : i32
    %scan3A_88 = arith.constant 0 : i32
    %scan3A_89 = arith.constant 32 : i32
    %scan3A_90 = arith.addi %scan3A_88, %scan3A_89 : i32
    %scan3A_91 = arith.constant 1 : i32
    scf.for %scan3A_95 = %scan3A_88 to %scan3A_90 step %scan3A_91  : i32 {
      %mul3A_96 = arith.constant 4 : i32
      %mul3A_97 = arith.muli %scan3A_95, %mul3A_96 : i32
      %add3A_98 = arith.constant 0 : i32
      %add3A_99 = arith.addi %mul3A_97, %add3A_98 : i32
      %dma_wait3A = arith.constant 0 : i32
      %dma_wait3A_100 = arith.constant 0 : i32
      %dma_wait3A_101 = arith.constant 0 : i32
      %dma_wait3A_102 = tpu.memref_slice %arg6[%dma_wait3A, %dma_wait3A_100, %dma_wait3A_101] : memref<4x200x64xf32, #tpu.memory_space<vmem>> -> memref<1x200x64xf32, #tpu.memory_space<vmem>>
      %dma_wait3A_103 = tpu.memref_squeeze %dma_wait3A_102 : memref<1x200x64xf32, #tpu.memory_space<vmem>> -> memref<200x64xf32, #tpu.memory_space<vmem>>
      %dma_wait3A_104 = arith.constant 0 : i32
      %dma_wait3A_105 = arith.constant 0 : i32
      %dma_wait3A_106 = tpu.memref_slice %arg3[%dma_wait3A_104, %dma_wait3A_105] : memref<1015808x64xf32, #tpu.memory_space<hbm>> -> memref<200x64xf32, #tpu.memory_space<hbm>>
      %dma_wait3A_107 = arith.constant 0 : i32
      %dma_wait3A_108 = arith.constant 0 : i32
      %dma_wait3A_109 = tpu.memref_slice %arg6[%dma_wait3A, %dma_wait3A_107, %dma_wait3A_108] : memref<4x200x64xf32, #tpu.memory_space<vmem>> -> memref<1x200x64xf32, #tpu.memory_space<vmem>>
      %dma_wait3A_110 = tpu.memref_squeeze %dma_wait3A_109 : memref<1x200x64xf32, #tpu.memory_space<vmem>> -> memref<200x64xf32, #tpu.memory_space<vmem>>
      %dma_wait3A_111 = arith.constant 0 : i32
      %dma_wait3A_112 = arith.constant 0 : i32
      %dma_wait3A_113 = tpu.memref_slice %arg3[%dma_wait3A_111, %dma_wait3A_112] : memref<1015808x64xf32, #tpu.memory_space<hbm>> -> memref<200x64xf32, #tpu.memory_space<hbm>>
      tpu.wait_dma2 semaphore(%arg8 : memref<!tpu.dma_semaphore, #tpu.memory_space<semaphore_mem>>) src(%dma_wait3A_113 : memref<200x64xf32, #tpu.memory_space<hbm>>) dst(%dma_wait3A_110 : memref<200x64xf32, #tpu.memory_space<vmem>>)
      %broadcast_in_dim3A = arith.constant 0.000000e+00 : f32
      %broadcast_in_dim3A_114 = vector.broadcast %broadcast_in_dim3A : f32 to vector<16xf32>
      %scan3A_115 = arith.constant 0 : i32
      %scan3A_116 = arith.constant 200 : i32
      %scan3A_117 = arith.addi %scan3A_115, %scan3A_116 : i32
      %scan3A_118 = arith.constant 1 : i32
      %scan3A_119:4 = scf.for %scan3A_306 = %scan3A_115 to %scan3A_117 step %scan3A_118 iter_args(%scan3A_307 = %broadcast_in_dim3A_114, %scan3A_308 = %broadcast_in_dim3A_114, %scan3A_309 = %broadcast_in_dim3A_114, %scan3A_310 = %broadcast_in_dim3A_114) -> (vector<16xf32>, vector<16xf32>, vector<16xf32>, vector<16xf32>)  : i32 {
        %get3A = arith.constant 0 : i32
        %get3A_311 = arith.index_cast %get3A : i32 to index
        %get3A_312 = arith.index_cast %scan3A_306 : i32 to index
        %get3A_313 = arith.constant 0 : index
        %get3A_314 = tpu.vector_load %arg6[%get3A_311, %get3A_312, %get3A_313] {strides = array<i32>} : memref<4x200x64xf32, #tpu.memory_space<vmem>>, vector<1x1x16xf32>,
        %get3A_315 = vector.shape_cast %get3A_314 : vector<1x1x16xf32> to vector<16xf32>
        %add3A_316 = arith.addf %scan3A_307, %get3A_315 : vector<16xf32>
        %get3A_317 = arith.constant 0 : i32
        %get3A_318 = arith.index_cast %get3A_317 : i32 to index
        %get3A_319 = arith.index_cast %scan3A_306 : i32 to index
        %get3A_320 = arith.constant 16 : index
        %get3A_321 = tpu.vector_load %arg6[%get3A_318, %get3A_319, %get3A_320] {strides = array<i32>} : memref<4x200x64xf32, #tpu.memory_space<vmem>>, vector<1x1x16xf32>,
        %get3A_322 = vector.shape_cast %get3A_321 : vector<1x1x16xf32> to vector<16xf32>
        %add3A_323 = arith.addf %scan3A_308, %get3A_322 : vector<16xf32>
        %get3A_324 = arith.constant 0 : i32
        %get3A_325 = arith.index_cast %get3A_324 : i32 to index
        %get3A_326 = arith.index_cast %scan3A_306 : i32 to index
        %get3A_327 = arith.constant 32 : index
        %get3A_328 = tpu.vector_load %arg6[%get3A_325, %get3A_326, %get3A_327] {strides = array<i32>} : memref<4x200x64xf32, #tpu.memory_space<vmem>>, vector<1x1x16xf32>,
        %get3A_329 = vector.shape_cast %get3A_328 : vector<1x1x16xf32> to vector<16xf32>
        %add3A_330 = arith.addf %scan3A_309, %get3A_329 : vector<16xf32>
        %get3A_331 = arith.constant 0 : i32
        %get3A_332 = arith.index_cast %get3A_331 : i32 to index
        %get3A_333 = arith.index_cast %scan3A_306 : i32 to index
        %get3A_334 = arith.constant 48 : index
        %get3A_335 = tpu.vector_load %arg6[%get3A_332, %get3A_333, %get3A_334] {strides = array<i32>} : memref<4x200x64xf32, #tpu.memory_space<vmem>>, vector<1x1x16xf32>,
        %get3A_336 = vector.shape_cast %get3A_335 : vector<1x1x16xf32> to vector<16xf32>
        %add3A_337 = arith.addf %scan3A_310, %get3A_336 : vector<16xf32>
        scf.yield %add3A_316, %add3A_323, %add3A_330, %add3A_337 : vector<16xf32>, vector<16xf32>, vector<16xf32>, vector<16xf32>
      }
      %scan3A_120 = arith.constant 200 : i32
      %swap3A = arith.index_cast %add3A_99 : i32 to index
      %swap3A_121 = arith.constant 0 : index
      %swap3A_122 = tpu.vector_load %arg7[%swap3A, %swap3A_121] {strides = array<i32>} : memref<128x64xf32, #tpu.memory_space<vmem>>, vector<1x16xf32>,
      %swap3A_123 = vector.shape_cast %swap3A_122 : vector<1x16xf32> to vector<16xf32>
      %swap3A_124 = vector.shape_cast %scan3A_119#0 : vector<16xf32> to vector<1x16xf32>
      tpu.vector_store %arg7[%swap3A, %swap3A_121], %swap3A_124 {strides = array<i32>} : memref<128x64xf32, #tpu.memory_space<vmem>>, vector<1x16xf32>,
      %swap3A_125 = arith.index_cast %add3A_99 : i32 to index
      %swap3A_126 = arith.constant 16 : index
      %swap3A_127 = tpu.vector_load %arg7[%swap3A_125, %swap3A_126] {strides = array<i32>} : memref<128x64xf32, #tpu.memory_space<vmem>>, vector<1x16xf32>,
      %swap3A_128 = vector.shape_cast %swap3A_127 : vector<1x16xf32> to vector<16xf32>
      %swap3A_129 = vector.shape_cast %scan3A_119#1 : vector<16xf32> to vector<1x16xf32>
      tpu.vector_store %arg7[%swap3A_125, %swap3A_126], %swap3A_129 {strides = array<i32>} : memref<128x64xf32, #tpu.memory_space<vmem>>, vector<1x16xf32>,
      %swap3A_130 = arith.index_cast %add3A_99 : i32 to index
      %swap3A_131 = arith.constant 32 : index
      %swap3A_132 = tpu.vector_load %arg7[%swap3A_130, %swap3A_131] {strides = array<i32>} : memref<128x64xf32, #tpu.memory_space<vmem>>, vector<1x16xf32>,
      %swap3A_133 = vector.shape_cast %swap3A_132 : vector<1x16xf32> to vector<16xf32>
      %swap3A_134 = vector.shape_cast %scan3A_119#2 : vector<16xf32> to vector<1x16xf32>
      tpu.vector_store %arg7[%swap3A_130, %swap3A_131], %swap3A_134 {strides = array<i32>} : memref<128x64xf32, #tpu.memory_space<vmem>>, vector<1x16xf32>,
      %swap3A_135 = arith.index_cast %add3A_99 : i32 to index
      %swap3A_136 = arith.constant 48 : index
      %swap3A_137 = tpu.vector_load %arg7[%swap3A_135, %swap3A_136] {strides = array<i32>} : memref<128x64xf32, #tpu.memory_space<vmem>>, vector<1x16xf32>,
      %swap3A_138 = vector.shape_cast %swap3A_137 : vector<1x16xf32> to vector<16xf32>
      %swap3A_139 = vector.shape_cast %scan3A_119#3 : vector<16xf32> to vector<1x16xf32>
      tpu.vector_store %arg7[%swap3A_135, %swap3A_136], %swap3A_139 {strides = array<i32>} : memref<128x64xf32, #tpu.memory_space<vmem>>, vector<1x16xf32>,
      %add3A_140 = arith.constant 4 : i32
      %add3A_141 = arith.addi %add3A_99, %add3A_140 : i32
      %lt3A = arith.constant 128 : i32
      %lt3A_142 = arith.cmpi slt, %add3A_141, %lt3A : i32
      %convert_element_type3A = arith.extui %lt3A_142 : i1 to i32
      %cond3A = arith.constant 0 : i32
      %cond3A_143 = arith.cmpi ne, %convert_element_type3A, %cond3A : i32
      scf.if %cond3A_143 {
        %mul3A_306 = arith.constant 256 : i32
        %mul3A_307 = arith.muli %add3A_141, %mul3A_306 : i32
        %dma_start3A_308 = arith.constant 0 : i32
        %dma_start3A_309 = arith.constant 0 : i32
        %dma_start3A_310 = arith.constant 0 : i32
        %dma_start3A_311 = tpu.memref_slice %arg6[%dma_start3A_308, %dma_start3A_309, %dma_start3A_310] : memref<4x200x64xf32, #tpu.memory_space<vmem>> -> memref<1x104x64xf32, #tpu.memory_space<vmem>>
        %dma_start3A_312 = tpu.memref_squeeze %dma_start3A_311 : memref<1x104x64xf32, #tpu.memory_space<vmem>> -> memref<104x64xf32, #tpu.memory_space<vmem>>
        %dma_start3A_313 = tpu.memref_slice %arg5[%mul3A_307] : memref<32768xi32, #tpu.memory_space<vmem>> -> memref<104xi32, #tpu.memory_space<vmem>>
        %dma_start3A_314 = arith.constant 0 : i32
        %dma_start3A_315 = arith.constant 0 : i32
        %dma_start3A_316 = tpu.memref_slice %arg3[%dma_start3A_314, %dma_start3A_315] : memref<1015808x64xf32, #tpu.memory_space<hbm>> -> memref<1015808x64xf32, #tpu.memory_space<hbm>>
        tpu.enqueue_indirect_dma source(%dma_start3A_316 : memref<1015808x64xf32, #tpu.memory_space<hbm>>) target(%dma_start3A_312 : memref<104x64xf32, #tpu.memory_space<vmem>>) offsets(%dma_start3A_313 : memref<104xi32, #tpu.memory_space<vmem>>) semaphore(%arg8 : memref<!tpu.dma_semaphore, #tpu.memory_space<semaphore_mem>>)
        %mul3A_317 = arith.constant 256 : i32
        %mul3A_318 = arith.muli %add3A_141, %mul3A_317 : i32
        %add3A_319 = arith.constant 104 : i32
        %add3A_320 = arith.addi %mul3A_318, %add3A_319 : i32
        %dma_start3A_321 = arith.constant 0 : i32
        %dma_start3A_322 = arith.constant 104 : i32
        %dma_start3A_323 = arith.constant 0 : i32
        %dma_start3A_324 = tpu.memref_slice %arg6[%dma_start3A_321, %dma_start3A_322, %dma_start3A_323] : memref<4x200x64xf32, #tpu.memory_space<vmem>> -> memref<1x96x64xf32, #tpu.memory_space<vmem>>
        %dma_start3A_325 = tpu.memref_squeeze %dma_start3A_324 : memref<1x96x64xf32, #tpu.memory_space<vmem>> -> memref<96x64xf32, #tpu.memory_space<vmem>>
        %dma_start3A_326 = tpu.memref_slice %arg5[%add3A_320] : memref<32768xi32, #tpu.memory_space<vmem>> -> memref<96xi32, #tpu.memory_space<vmem>>
        %dma_start3A_327 = arith.constant 0 : i32
        %dma_start3A_328 = arith.constant 0 : i32
        %dma_start3A_329 = tpu.memref_slice %arg3[%dma_start3A_327, %dma_start3A_328] : memref<1015808x64xf32, #tpu.memory_space<hbm>> -> memref<1015808x64xf32, #tpu.memory_space<hbm>>
        tpu.enqueue_indirect_dma source(%dma_start3A_329 : memref<1015808x64xf32, #tpu.memory_space<hbm>>) target(%dma_start3A_325 : memref<96x64xf32, #tpu.memory_space<vmem>>) offsets(%dma_start3A_326 : memref<96xi32, #tpu.memory_space<vmem>>) semaphore(%arg8 : memref<!tpu.dma_semaphore, #tpu.memory_space<semaphore_mem>>)
      } else {
      }
      %mul3A_144 = arith.constant 4 : i32
      %mul3A_145 = arith.muli %scan3A_95, %mul3A_144 : i32
      %add3A_146 = arith.constant 1 : i32
      %add3A_147 = arith.addi %mul3A_145, %add3A_146 : i32
      %dma_wait3A_148 = arith.constant 1 : i32
      %dma_wait3A_149 = arith.constant 0 : i32
      %dma_wait3A_150 = arith.constant 0 : i32
      %dma_wait3A_151 = tpu.memref_slice %arg6[%dma_wait3A_148, %dma_wait3A_149, %dma_wait3A_150] : memref<4x200x64xf32, #tpu.memory_space<vmem>> -> memref<1x200x64xf32, #tpu.memory_space<vmem>>
      %dma_wait3A_152 = tpu.memref_squeeze %dma_wait3A_151 : memref<1x200x64xf32, #tpu.memory_space<vmem>> -> memref<200x64xf32, #tpu.memory_space<vmem>>
      %dma_wait3A_153 = arith.constant 0 : i32
      %dma_wait3A_154 = arith.constant 0 : i32
      %dma_wait3A_155 = tpu.memref_slice %arg3[%dma_wait3A_153, %dma_wait3A_154] : memref<1015808x64xf32, #tpu.memory_space<hbm>> -> memref<200x64xf32, #tpu.memory_space<hbm>>
      %dma_wait3A_156 = arith.constant 0 : i32
      %dma_wait3A_157 = arith.constant 0 : i32
      %dma_wait3A_158 = tpu.memref_slice %arg6[%dma_wait3A_148, %dma_wait3A_156, %dma_wait3A_157] : memref<4x200x64xf32, #tpu.memory_space<vmem>> -> memref<1x200x64xf32, #tpu.memory_space<vmem>>
      %dma_wait3A_159 = tpu.memref_squeeze %dma_wait3A_158 : memref<1x200x64xf32, #tpu.memory_space<vmem>> -> memref<200x64xf32, #tpu.memory_space<vmem>>
      %dma_wait3A_160 = arith.constant 0 : i32
      %dma_wait3A_161 = arith.constant 0 : i32
      %dma_wait3A_162 = tpu.memref_slice %arg3[%dma_wait3A_160, %dma_wait3A_161] : memref<1015808x64xf32, #tpu.memory_space<hbm>> -> memref<200x64xf32, #tpu.memory_space<hbm>>
      tpu.wait_dma2 semaphore(%arg9 : memref<!tpu.dma_semaphore, #tpu.memory_space<semaphore_mem>>) src(%dma_wait3A_162 : memref<200x64xf32, #tpu.memory_space<hbm>>) dst(%dma_wait3A_159 : memref<200x64xf32, #tpu.memory_space<vmem>>)
      %broadcast_in_dim3A_163 = arith.constant 0.000000e+00 : f32
      %broadcast_in_dim3A_164 = vector.broadcast %broadcast_in_dim3A_163 : f32 to vector<16xf32>
      %scan3A_165 = arith.constant 0 : i32
      %scan3A_166 = arith.constant 200 : i32
      %scan3A_167 = arith.addi %scan3A_165, %scan3A_166 : i32
      %scan3A_168 = arith.constant 1 : i32
      %scan3A_169:4 = scf.for %scan3A_306 = %scan3A_165 to %scan3A_167 step %scan3A_168 iter_args(%scan3A_307 = %broadcast_in_dim3A_164, %scan3A_308 = %broadcast_in_dim3A_164, %scan3A_309 = %broadcast_in_dim3A_164, %scan3A_310 = %broadcast_in_dim3A_164) -> (vector<16xf32>, vector<16xf32>, vector<16xf32>, vector<16xf32>)  : i32 {
        %get3A = arith.constant 1 : i32
        %get3A_311 = arith.index_cast %get3A : i32 to index
        %get3A_312 = arith.index_cast %scan3A_306 : i32 to index
        %get3A_313 = arith.constant 0 : index
        %get3A_314 = tpu.vector_load %arg6[%get3A_311, %get3A_312, %get3A_313] {strides = array<i32>} : memref<4x200x64xf32, #tpu.memory_space<vmem>>, vector<1x1x16xf32>,
        %get3A_315 = vector.shape_cast %get3A_314 : vector<1x1x16xf32> to vector<16xf32>
        %add3A_316 = arith.addf %scan3A_307, %get3A_315 : vector<16xf32>
        %get3A_317 = arith.constant 1 : i32
        %get3A_318 = arith.index_cast %get3A_317 : i32 to index
        %get3A_319 = arith.index_cast %scan3A_306 : i32 to index
        %get3A_320 = arith.constant 16 : index
        %get3A_321 = tpu.vector_load %arg6[%get3A_318, %get3A_319, %get3A_320] {strides = array<i32>} : memref<4x200x64xf32, #tpu.memory_space<vmem>>, vector<1x1x16xf32>,
        %get3A_322 = vector.shape_cast %get3A_321 : vector<1x1x16xf32> to vector<16xf32>
        %add3A_323 = arith.addf %scan3A_308, %get3A_322 : vector<16xf32>
        %get3A_324 = arith.constant 1 : i32
        %get3A_325 = arith.index_cast %get3A_324 : i32 to index
        %get3A_326 = arith.index_cast %scan3A_306 : i32 to index
        %get3A_327 = arith.constant 32 : index
        %get3A_328 = tpu.vector_load %arg6[%get3A_325, %get3A_326, %get3A_327] {strides = array<i32>} : memref<4x200x64xf32, #tpu.memory_space<vmem>>, vector<1x1x16xf32>,
        %get3A_329 = vector.shape_cast %get3A_328 : vector<1x1x16xf32> to vector<16xf32>
        %add3A_330 = arith.addf %scan3A_309, %get3A_329 : vector<16xf32>
        %get3A_331 = arith.constant 1 : i32
        %get3A_332 = arith.index_cast %get3A_331 : i32 to index
        %get3A_333 = arith.index_cast %scan3A_306 : i32 to index
        %get3A_334 = arith.constant 48 : index
        %get3A_335 = tpu.vector_load %arg6[%get3A_332, %get3A_333, %get3A_334] {strides = array<i32>} : memref<4x200x64xf32, #tpu.memory_space<vmem>>, vector<1x1x16xf32>,
        %get3A_336 = vector.shape_cast %get3A_335 : vector<1x1x16xf32> to vector<16xf32>
        %add3A_337 = arith.addf %scan3A_310, %get3A_336 : vector<16xf32>
        scf.yield %add3A_316, %add3A_323, %add3A_330, %add3A_337 : vector<16xf32>, vector<16xf32>, vector<16xf32>, vector<16xf32>
      }
      %scan3A_170 = arith.constant 200 : i32
      %swap3A_171 = arith.index_cast %add3A_147 : i32 to index
      %swap3A_172 = arith.constant 0 : index
      %swap3A_173 = tpu.vector_load %arg7[%swap3A_171, %swap3A_172] {strides = array<i32>} : memref<128x64xf32, #tpu.memory_space<vmem>>, vector<1x16xf32>,
      %swap3A_174 = vector.shape_cast %swap3A_173 : vector<1x16xf32> to vector<16xf32>
      %swap3A_175 = vector.shape_cast %scan3A_169#0 : vector<16xf32> to vector<1x16xf32>
      tpu.vector_store %arg7[%swap3A_171, %swap3A_172], %swap3A_175 {strides = array<i32>} : memref<128x64xf32, #tpu.memory_space<vmem>>, vector<1x16xf32>,
      %swap3A_176 = arith.index_cast %add3A_147 : i32 to index
      %swap3A_177 = arith.constant 16 : index
      %swap3A_178 = tpu.vector_load %arg7[%swap3A_176, %swap3A_177] {strides = array<i32>} : memref<128x64xf32, #tpu.memory_space<vmem>>, vector<1x16xf32>,
      %swap3A_179 = vector.shape_cast %swap3A_178 : vector<1x16xf32> to vector<16xf32>
      %swap3A_180 = vector.shape_cast %scan3A_169#1 : vector<16xf32> to vector<1x16xf32>
      tpu.vector_store %arg7[%swap3A_176, %swap3A_177], %swap3A_180 {strides = array<i32>} : memref<128x64xf32, #tpu.memory_space<vmem>>, vector<1x16xf32>,
      %swap3A_181 = arith.index_cast %add3A_147 : i32 to index
      %swap3A_182 = arith.constant 32 : index
      %swap3A_183 = tpu.vector_load %arg7[%swap3A_181, %swap3A_182] {strides = array<i32>} : memref<128x64xf32, #tpu.memory_space<vmem>>, vector<1x16xf32>,
      %swap3A_184 = vector.shape_cast %swap3A_183 : vector<1x16xf32> to vector<16xf32>
      %swap3A_185 = vector.shape_cast %scan3A_169#2 : vector<16xf32> to vector<1x16xf32>
      tpu.vector_store %arg7[%swap3A_181, %swap3A_182], %swap3A_185 {strides = array<i32>} : memref<128x64xf32, #tpu.memory_space<vmem>>, vector<1x16xf32>,
      %swap3A_186 = arith.index_cast %add3A_147 : i32 to index
      %swap3A_187 = arith.constant 48 : index
      %swap3A_188 = tpu.vector_load %arg7[%swap3A_186, %swap3A_187] {strides = array<i32>} : memref<128x64xf32, #tpu.memory_space<vmem>>, vector<1x16xf32>,
      %swap3A_189 = vector.shape_cast %swap3A_188 : vector<1x16xf32> to vector<16xf32>
      %swap3A_190 = vector.shape_cast %scan3A_169#3 : vector<16xf32> to vector<1x16xf32>
      tpu.vector_store %arg7[%swap3A_186, %swap3A_187], %swap3A_190 {strides = array<i32>} : memref<128x64xf32, #tpu.memory_space<vmem>>, vector<1x16xf32>,
      %add3A_191 = arith.constant 4 : i32
      %add3A_192 = arith.addi %add3A_147, %add3A_191 : i32
      %lt3A_193 = arith.constant 128 : i32
      %lt3A_194 = arith.cmpi slt, %add3A_192, %lt3A_193 : i32
      %convert_element_type3A_195 = arith.extui %lt3A_194 : i1 to i32
      %cond3A_196 = arith.constant 0 : i32
      %cond3A_197 = arith.cmpi ne, %convert_element_type3A_195, %cond3A_196 : i32
      scf.if %cond3A_197 {
        %mul3A_306 = arith.constant 256 : i32
        %mul3A_307 = arith.muli %add3A_192, %mul3A_306 : i32
        %dma_start3A_308 = arith.constant 1 : i32
        %dma_start3A_309 = arith.constant 0 : i32
        %dma_start3A_310 = arith.constant 0 : i32
        %dma_start3A_311 = tpu.memref_slice %arg6[%dma_start3A_308, %dma_start3A_309, %dma_start3A_310] : memref<4x200x64xf32, #tpu.memory_space<vmem>> -> memref<1x104x64xf32, #tpu.memory_space<vmem>>
        %dma_start3A_312 = tpu.memref_squeeze %dma_start3A_311 : memref<1x104x64xf32, #tpu.memory_space<vmem>> -> memref<104x64xf32, #tpu.memory_space<vmem>>
        %dma_start3A_313 = tpu.memref_slice %arg5[%mul3A_307] : memref<32768xi32, #tpu.memory_space<vmem>> -> memref<104xi32, #tpu.memory_space<vmem>>
        %dma_start3A_314 = arith.constant 0 : i32
        %dma_start3A_315 = arith.constant 0 : i32
        %dma_start3A_316 = tpu.memref_slice %arg3[%dma_start3A_314, %dma_start3A_315] : memref<1015808x64xf32, #tpu.memory_space<hbm>> -> memref<1015808x64xf32, #tpu.memory_space<hbm>>
        tpu.enqueue_indirect_dma source(%dma_start3A_316 : memref<1015808x64xf32, #tpu.memory_space<hbm>>) target(%dma_start3A_312 : memref<104x64xf32, #tpu.memory_space<vmem>>) offsets(%dma_start3A_313 : memref<104xi32, #tpu.memory_space<vmem>>) semaphore(%arg9 : memref<!tpu.dma_semaphore, #tpu.memory_space<semaphore_mem>>)
        %mul3A_317 = arith.constant 256 : i32
        %mul3A_318 = arith.muli %add3A_192, %mul3A_317 : i32
        %add3A_319 = arith.constant 104 : i32
        %add3A_320 = arith.addi %mul3A_318, %add3A_319 : i32
        %dma_start3A_321 = arith.constant 1 : i32
        %dma_start3A_322 = arith.constant 104 : i32
        %dma_start3A_323 = arith.constant 0 : i32
        %dma_start3A_324 = tpu.memref_slice %arg6[%dma_start3A_321, %dma_start3A_322, %dma_start3A_323] : memref<4x200x64xf32, #tpu.memory_space<vmem>> -> memref<1x96x64xf32, #tpu.memory_space<vmem>>
        %dma_start3A_325 = tpu.memref_squeeze %dma_start3A_324 : memref<1x96x64xf32, #tpu.memory_space<vmem>> -> memref<96x64xf32, #tpu.memory_space<vmem>>
        %dma_start3A_326 = tpu.memref_slice %arg5[%add3A_320] : memref<32768xi32, #tpu.memory_space<vmem>> -> memref<96xi32, #tpu.memory_space<vmem>>
        %dma_start3A_327 = arith.constant 0 : i32
        %dma_start3A_328 = arith.constant 0 : i32
        %dma_start3A_329 = tpu.memref_slice %arg3[%dma_start3A_327, %dma_start3A_328] : memref<1015808x64xf32, #tpu.memory_space<hbm>> -> memref<1015808x64xf32, #tpu.memory_space<hbm>>
        tpu.enqueue_indirect_dma source(%dma_start3A_329 : memref<1015808x64xf32, #tpu.memory_space<hbm>>) target(%dma_start3A_325 : memref<96x64xf32, #tpu.memory_space<vmem>>) offsets(%dma_start3A_326 : memref<96xi32, #tpu.memory_space<vmem>>) semaphore(%arg9 : memref<!tpu.dma_semaphore, #tpu.memory_space<semaphore_mem>>)
      } else {
      }
      %mul3A_198 = arith.constant 4 : i32
      %mul3A_199 = arith.muli %scan3A_95, %mul3A_198 : i32
      %add3A_200 = arith.constant 2 : i32
      %add3A_201 = arith.addi %mul3A_199, %add3A_200 : i32
      %dma_wait3A_202 = arith.constant 2 : i32
      %dma_wait3A_203 = arith.constant 0 : i32
      %dma_wait3A_204 = arith.constant 0 : i32
      %dma_wait3A_205 = tpu.memref_slice %arg6[%dma_wait3A_202, %dma_wait3A_203, %dma_wait3A_204] : memref<4x200x64xf32, #tpu.memory_space<vmem>> -> memref<1x200x64xf32, #tpu.memory_space<vmem>>
      %dma_wait3A_206 = tpu.memref_squeeze %dma_wait3A_205 : memref<1x200x64xf32, #tpu.memory_space<vmem>> -> memref<200x64xf32, #tpu.memory_space<vmem>>
      %dma_wait3A_207 = arith.constant 0 : i32
      %dma_wait3A_208 = arith.constant 0 : i32
      %dma_wait3A_209 = tpu.memref_slice %arg3[%dma_wait3A_207, %dma_wait3A_208] : memref<1015808x64xf32, #tpu.memory_space<hbm>> -> memref<200x64xf32, #tpu.memory_space<hbm>>
      %dma_wait3A_210 = arith.constant 0 : i32
      %dma_wait3A_211 = arith.constant 0 : i32
      %dma_wait3A_212 = tpu.memref_slice %arg6[%dma_wait3A_202, %dma_wait3A_210, %dma_wait3A_211] : memref<4x200x64xf32, #tpu.memory_space<vmem>> -> memref<1x200x64xf32, #tpu.memory_space<vmem>>
      %dma_wait3A_213 = tpu.memref_squeeze %dma_wait3A_212 : memref<1x200x64xf32, #tpu.memory_space<vmem>> -> memref<200x64xf32, #tpu.memory_space<vmem>>
      %dma_wait3A_214 = arith.constant 0 : i32
      %dma_wait3A_215 = arith.constant 0 : i32
      %dma_wait3A_216 = tpu.memref_slice %arg3[%dma_wait3A_214, %dma_wait3A_215] : memref<1015808x64xf32, #tpu.memory_space<hbm>> -> memref<200x64xf32, #tpu.memory_space<hbm>>
      tpu.wait_dma2 semaphore(%arg10 : memref<!tpu.dma_semaphore, #tpu.memory_space<semaphore_mem>>) src(%dma_wait3A_216 : memref<200x64xf32, #tpu.memory_space<hbm>>) dst(%dma_wait3A_213 : memref<200x64xf32, #tpu.memory_space<vmem>>)
      %broadcast_in_dim3A_217 = arith.constant 0.000000e+00 : f32
      %broadcast_in_dim3A_218 = vector.broadcast %broadcast_in_dim3A_217 : f32 to vector<16xf32>
      %scan3A_219 = arith.constant 0 : i32
      %scan3A_220 = arith.constant 200 : i32
      %scan3A_221 = arith.addi %scan3A_219, %scan3A_220 : i32
      %scan3A_222 = arith.constant 1 : i32
      %scan3A_223:4 = scf.for %scan3A_306 = %scan3A_219 to %scan3A_221 step %scan3A_222 iter_args(%scan3A_307 = %broadcast_in_dim3A_218, %scan3A_308 = %broadcast_in_dim3A_218, %scan3A_309 = %broadcast_in_dim3A_218, %scan3A_310 = %broadcast_in_dim3A_218) -> (vector<16xf32>, vector<16xf32>, vector<16xf32>, vector<16xf32>)  : i32 {
        %get3A = arith.constant 2 : i32
        %get3A_311 = arith.index_cast %get3A : i32 to index
        %get3A_312 = arith.index_cast %scan3A_306 : i32 to index
        %get3A_313 = arith.constant 0 : index
        %get3A_314 = tpu.vector_load %arg6[%get3A_311, %get3A_312, %get3A_313] {strides = array<i32>} : memref<4x200x64xf32, #tpu.memory_space<vmem>>, vector<1x1x16xf32>,
        %get3A_315 = vector.shape_cast %get3A_314 : vector<1x1x16xf32> to vector<16xf32>
        %add3A_316 = arith.addf %scan3A_307, %get3A_315 : vector<16xf32>
        %get3A_317 = arith.constant 2 : i32
        %get3A_318 = arith.index_cast %get3A_317 : i32 to index
        %get3A_319 = arith.index_cast %scan3A_306 : i32 to index
        %get3A_320 = arith.constant 16 : index
        %get3A_321 = tpu.vector_load %arg6[%get3A_318, %get3A_319, %get3A_320] {strides = array<i32>} : memref<4x200x64xf32, #tpu.memory_space<vmem>>, vector<1x1x16xf32>,
        %get3A_322 = vector.shape_cast %get3A_321 : vector<1x1x16xf32> to vector<16xf32>
        %add3A_323 = arith.addf %scan3A_308, %get3A_322 : vector<16xf32>
        %get3A_324 = arith.constant 2 : i32
        %get3A_325 = arith.index_cast %get3A_324 : i32 to index
        %get3A_326 = arith.index_cast %scan3A_306 : i32 to index
        %get3A_327 = arith.constant 32 : index
        %get3A_328 = tpu.vector_load %arg6[%get3A_325, %get3A_326, %get3A_327] {strides = array<i32>} : memref<4x200x64xf32, #tpu.memory_space<vmem>>, vector<1x1x16xf32>,
        %get3A_329 = vector.shape_cast %get3A_328 : vector<1x1x16xf32> to vector<16xf32>
        %add3A_330 = arith.addf %scan3A_309, %get3A_329 : vector<16xf32>
        %get3A_331 = arith.constant 2 : i32
        %get3A_332 = arith.index_cast %get3A_331 : i32 to index
        %get3A_333 = arith.index_cast %scan3A_306 : i32 to index
        %get3A_334 = arith.constant 48 : index
        %get3A_335 = tpu.vector_load %arg6[%get3A_332, %get3A_333, %get3A_334] {strides = array<i32>} : memref<4x200x64xf32, #tpu.memory_space<vmem>>, vector<1x1x16xf32>,
        %get3A_336 = vector.shape_cast %get3A_335 : vector<1x1x16xf32> to vector<16xf32>
        %add3A_337 = arith.addf %scan3A_310, %get3A_336 : vector<16xf32>
        scf.yield %add3A_316, %add3A_323, %add3A_330, %add3A_337 : vector<16xf32>, vector<16xf32>, vector<16xf32>, vector<16xf32>
      }
      %scan3A_224 = arith.constant 200 : i32
      %swap3A_225 = arith.index_cast %add3A_201 : i32 to index
      %swap3A_226 = arith.constant 0 : index
      %swap3A_227 = tpu.vector_load %arg7[%swap3A_225, %swap3A_226] {strides = array<i32>} : memref<128x64xf32, #tpu.memory_space<vmem>>, vector<1x16xf32>,
      %swap3A_228 = vector.shape_cast %swap3A_227 : vector<1x16xf32> to vector<16xf32>
      %swap3A_229 = vector.shape_cast %scan3A_223#0 : vector<16xf32> to vector<1x16xf32>
      tpu.vector_store %arg7[%swap3A_225, %swap3A_226], %swap3A_229 {strides = array<i32>} : memref<128x64xf32, #tpu.memory_space<vmem>>, vector<1x16xf32>,
      %swap3A_230 = arith.index_cast %add3A_201 : i32 to index
      %swap3A_231 = arith.constant 16 : index
      %swap3A_232 = tpu.vector_load %arg7[%swap3A_230, %swap3A_231] {strides = array<i32>} : memref<128x64xf32, #tpu.memory_space<vmem>>, vector<1x16xf32>,
      %swap3A_233 = vector.shape_cast %swap3A_232 : vector<1x16xf32> to vector<16xf32>
      %swap3A_234 = vector.shape_cast %scan3A_223#1 : vector<16xf32> to vector<1x16xf32>
      tpu.vector_store %arg7[%swap3A_230, %swap3A_231], %swap3A_234 {strides = array<i32>} : memref<128x64xf32, #tpu.memory_space<vmem>>, vector<1x16xf32>,
      %swap3A_235 = arith.index_cast %add3A_201 : i32 to index
      %swap3A_236 = arith.constant 32 : index
      %swap3A_237 = tpu.vector_load %arg7[%swap3A_235, %swap3A_236] {strides = array<i32>} : memref<128x64xf32, #tpu.memory_space<vmem>>, vector<1x16xf32>,
      %swap3A_238 = vector.shape_cast %swap3A_237 : vector<1x16xf32> to vector<16xf32>
      %swap3A_239 = vector.shape_cast %scan3A_223#2 : vector<16xf32> to vector<1x16xf32>
      tpu.vector_store %arg7[%swap3A_235, %swap3A_236], %swap3A_239 {strides = array<i32>} : memref<128x64xf32, #tpu.memory_space<vmem>>, vector<1x16xf32>,
      %swap3A_240 = arith.index_cast %add3A_201 : i32 to index
      %swap3A_241 = arith.constant 48 : index
      %swap3A_242 = tpu.vector_load %arg7[%swap3A_240, %swap3A_241] {strides = array<i32>} : memref<128x64xf32, #tpu.memory_space<vmem>>, vector<1x16xf32>,
      %swap3A_243 = vector.shape_cast %swap3A_242 : vector<1x16xf32> to vector<16xf32>
      %swap3A_244 = vector.shape_cast %scan3A_223#3 : vector<16xf32> to vector<1x16xf32>
      tpu.vector_store %arg7[%swap3A_240, %swap3A_241], %swap3A_244 {strides = array<i32>} : memref<128x64xf32, #tpu.memory_space<vmem>>, vector<1x16xf32>,
      %add3A_245 = arith.constant 4 : i32
      %add3A_246 = arith.addi %add3A_201, %add3A_245 : i32
      %lt3A_247 = arith.constant 128 : i32
      %lt3A_248 = arith.cmpi slt, %add3A_246, %lt3A_247 : i32
      %convert_element_type3A_249 = arith.extui %lt3A_248 : i1 to i32
      %cond3A_250 = arith.constant 0 : i32
      %cond3A_251 = arith.cmpi ne, %convert_element_type3A_249, %cond3A_250 : i32
      scf.if %cond3A_251 {
        %mul3A_306 = arith.constant 256 : i32
        %mul3A_307 = arith.muli %add3A_246, %mul3A_306 : i32
        %dma_start3A_308 = arith.constant 2 : i32
        %dma_start3A_309 = arith.constant 0 : i32
        %dma_start3A_310 = arith.constant 0 : i32
        %dma_start3A_311 = tpu.memref_slice %arg6[%dma_start3A_308, %dma_start3A_309, %dma_start3A_310] : memref<4x200x64xf32, #tpu.memory_space<vmem>> -> memref<1x104x64xf32, #tpu.memory_space<vmem>>
        %dma_start3A_312 = tpu.memref_squeeze %dma_start3A_311 : memref<1x104x64xf32, #tpu.memory_space<vmem>> -> memref<104x64xf32, #tpu.memory_space<vmem>>
        %dma_start3A_313 = tpu.memref_slice %arg5[%mul3A_307] : memref<32768xi32, #tpu.memory_space<vmem>> -> memref<104xi32, #tpu.memory_space<vmem>>
        %dma_start3A_314 = arith.constant 0 : i32
        %dma_start3A_315 = arith.constant 0 : i32
        %dma_start3A_316 = tpu.memref_slice %arg3[%dma_start3A_314, %dma_start3A_315] : memref<1015808x64xf32, #tpu.memory_space<hbm>> -> memref<1015808x64xf32, #tpu.memory_space<hbm>>
        tpu.enqueue_indirect_dma source(%dma_start3A_316 : memref<1015808x64xf32, #tpu.memory_space<hbm>>) target(%dma_start3A_312 : memref<104x64xf32, #tpu.memory_space<vmem>>) offsets(%dma_start3A_313 : memref<104xi32, #tpu.memory_space<vmem>>) semaphore(%arg10 : memref<!tpu.dma_semaphore, #tpu.memory_space<semaphore_mem>>)
        %mul3A_317 = arith.constant 256 : i32
        %mul3A_318 = arith.muli %add3A_246, %mul3A_317 : i32
        %add3A_319 = arith.constant 104 : i32
        %add3A_320 = arith.addi %mul3A_318, %add3A_319 : i32
        %dma_start3A_321 = arith.constant 2 : i32
        %dma_start3A_322 = arith.constant 104 : i32
        %dma_start3A_323 = arith.constant 0 : i32
        %dma_start3A_324 = tpu.memref_slice %arg6[%dma_start3A_321, %dma_start3A_322, %dma_start3A_323] : memref<4x200x64xf32, #tpu.memory_space<vmem>> -> memref<1x96x64xf32, #tpu.memory_space<vmem>>
        %dma_start3A_325 = tpu.memref_squeeze %dma_start3A_324 : memref<1x96x64xf32, #tpu.memory_space<vmem>> -> memref<96x64xf32, #tpu.memory_space<vmem>>
        %dma_start3A_326 = tpu.memref_slice %arg5[%add3A_320] : memref<32768xi32, #tpu.memory_space<vmem>> -> memref<96xi32, #tpu.memory_space<vmem>>
        %dma_start3A_327 = arith.constant 0 : i32
        %dma_start3A_328 = arith.constant 0 : i32
        %dma_start3A_329 = tpu.memref_slice %arg3[%dma_start3A_327, %dma_start3A_328] : memref<1015808x64xf32, #tpu.memory_space<hbm>> -> memref<1015808x64xf32, #tpu.memory_space<hbm>>
        tpu.enqueue_indirect_dma source(%dma_start3A_329 : memref<1015808x64xf32, #tpu.memory_space<hbm>>) target(%dma_start3A_325 : memref<96x64xf32, #tpu.memory_space<vmem>>) offsets(%dma_start3A_326 : memref<96xi32, #tpu.memory_space<vmem>>) semaphore(%arg10 : memref<!tpu.dma_semaphore, #tpu.memory_space<semaphore_mem>>)
      } else {
      }
      %mul3A_252 = arith.constant 4 : i32
      %mul3A_253 = arith.muli %scan3A_95, %mul3A_252 : i32
      %add3A_254 = arith.constant 3 : i32
      %add3A_255 = arith.addi %mul3A_253, %add3A_254 : i32
      %dma_wait3A_256 = arith.constant 3 : i32
      %dma_wait3A_257 = arith.constant 0 : i32
      %dma_wait3A_258 = arith.constant 0 : i32
      %dma_wait3A_259 = tpu.memref_slice %arg6[%dma_wait3A_256, %dma_wait3A_257, %dma_wait3A_258] : memref<4x200x64xf32, #tpu.memory_space<vmem>> -> memref<1x200x64xf32, #tpu.memory_space<vmem>>
      %dma_wait3A_260 = tpu.memref_squeeze %dma_wait3A_259 : memref<1x200x64xf32, #tpu.memory_space<vmem>> -> memref<200x64xf32, #tpu.memory_space<vmem>>
      %dma_wait3A_261 = arith.constant 0 : i32
      %dma_wait3A_262 = arith.constant 0 : i32
      %dma_wait3A_263 = tpu.memref_slice %arg3[%dma_wait3A_261, %dma_wait3A_262] : memref<1015808x64xf32, #tpu.memory_space<hbm>> -> memref<200x64xf32, #tpu.memory_space<hbm>>
      %dma_wait3A_264 = arith.constant 0 : i32
      %dma_wait3A_265 = arith.constant 0 : i32
      %dma_wait3A_266 = tpu.memref_slice %arg6[%dma_wait3A_256, %dma_wait3A_264, %dma_wait3A_265] : memref<4x200x64xf32, #tpu.memory_space<vmem>> -> memref<1x200x64xf32, #tpu.memory_space<vmem>>
      %dma_wait3A_267 = tpu.memref_squeeze %dma_wait3A_266 : memref<1x200x64xf32, #tpu.memory_space<vmem>> -> memref<200x64xf32, #tpu.memory_space<vmem>>
      %dma_wait3A_268 = arith.constant 0 : i32
      %dma_wait3A_269 = arith.constant 0 : i32
      %dma_wait3A_270 = tpu.memref_slice %arg3[%dma_wait3A_268, %dma_wait3A_269] : memref<1015808x64xf32, #tpu.memory_space<hbm>> -> memref<200x64xf32, #tpu.memory_space<hbm>>
      tpu.wait_dma2 semaphore(%arg11 : memref<!tpu.dma_semaphore, #tpu.memory_space<semaphore_mem>>) src(%dma_wait3A_270 : memref<200x64xf32, #tpu.memory_space<hbm>>) dst(%dma_wait3A_267 : memref<200x64xf32, #tpu.memory_space<vmem>>)
      %broadcast_in_dim3A_271 = arith.constant 0.000000e+00 : f32
      %broadcast_in_dim3A_272 = vector.broadcast %broadcast_in_dim3A_271 : f32 to vector<16xf32>
      %scan3A_273 = arith.constant 0 : i32
      %scan3A_274 = arith.constant 200 : i32
      %scan3A_275 = arith.addi %scan3A_273, %scan3A_274 : i32
      %scan3A_276 = arith.constant 1 : i32
      %scan3A_277:4 = scf.for %scan3A_306 = %scan3A_273 to %scan3A_275 step %scan3A_276 iter_args(%scan3A_307 = %broadcast_in_dim3A_272, %scan3A_308 = %broadcast_in_dim3A_272, %scan3A_309 = %broadcast_in_dim3A_272, %scan3A_310 = %broadcast_in_dim3A_272) -> (vector<16xf32>, vector<16xf32>, vector<16xf32>, vector<16xf32>)  : i32 {
        %get3A = arith.constant 3 : i32
        %get3A_311 = arith.index_cast %get3A : i32 to index
        %get3A_312 = arith.index_cast %scan3A_306 : i32 to index
        %get3A_313 = arith.constant 0 : index
        %get3A_314 = tpu.vector_load %arg6[%get3A_311, %get3A_312, %get3A_313] {strides = array<i32>} : memref<4x200x64xf32, #tpu.memory_space<vmem>>, vector<1x1x16xf32>,
        %get3A_315 = vector.shape_cast %get3A_314 : vector<1x1x16xf32> to vector<16xf32>
        %add3A_316 = arith.addf %scan3A_307, %get3A_315 : vector<16xf32>
        %get3A_317 = arith.constant 3 : i32
        %get3A_318 = arith.index_cast %get3A_317 : i32 to index
        %get3A_319 = arith.index_cast %scan3A_306 : i32 to index
        %get3A_320 = arith.constant 16 : index
        %get3A_321 = tpu.vector_load %arg6[%get3A_318, %get3A_319, %get3A_320] {strides = array<i32>} : memref<4x200x64xf32, #tpu.memory_space<vmem>>, vector<1x1x16xf32>,
        %get3A_322 = vector.shape_cast %get3A_321 : vector<1x1x16xf32> to vector<16xf32>
        %add3A_323 = arith.addf %scan3A_308, %get3A_322 : vector<16xf32>
        %get3A_324 = arith.constant 3 : i32
        %get3A_325 = arith.index_cast %get3A_324 : i32 to index
        %get3A_326 = arith.index_cast %scan3A_306 : i32 to index
        %get3A_327 = arith.constant 32 : index
        %get3A_328 = tpu.vector_load %arg6[%get3A_325, %get3A_326, %get3A_327] {strides = array<i32>} : memref<4x200x64xf32, #tpu.memory_space<vmem>>, vector<1x1x16xf32>,
        %get3A_329 = vector.shape_cast %get3A_328 : vector<1x1x16xf32> to vector<16xf32>
        %add3A_330 = arith.addf %scan3A_309, %get3A_329 : vector<16xf32>
        %get3A_331 = arith.constant 3 : i32
        %get3A_332 = arith.index_cast %get3A_331 : i32 to index
        %get3A_333 = arith.index_cast %scan3A_306 : i32 to index
        %get3A_334 = arith.constant 48 : index
        %get3A_335 = tpu.vector_load %arg6[%get3A_332, %get3A_333, %get3A_334] {strides = array<i32>} : memref<4x200x64xf32, #tpu.memory_space<vmem>>, vector<1x1x16xf32>,
        %get3A_336 = vector.shape_cast %get3A_335 : vector<1x1x16xf32> to vector<16xf32>
        %add3A_337 = arith.addf %scan3A_310, %get3A_336 : vector<16xf32>
        scf.yield %add3A_316, %add3A_323, %add3A_330, %add3A_337 : vector<16xf32>, vector<16xf32>, vector<16xf32>, vector<16xf32>
      }
      %scan3A_278 = arith.constant 200 : i32
      %swap3A_279 = arith.index_cast %add3A_255 : i32 to index
      %swap3A_280 = arith.constant 0 : index
      %swap3A_281 = tpu.vector_load %arg7[%swap3A_279, %swap3A_280] {strides = array<i32>} : memref<128x64xf32, #tpu.memory_space<vmem>>, vector<1x16xf32>,
      %swap3A_282 = vector.shape_cast %swap3A_281 : vector<1x16xf32> to vector<16xf32>
      %swap3A_283 = vector.shape_cast %scan3A_277#0 : vector<16xf32> to vector<1x16xf32>
      tpu.vector_store %arg7[%swap3A_279, %swap3A_280], %swap3A_283 {strides = array<i32>} : memref<128x64xf32, #tpu.memory_space<vmem>>, vector<1x16xf32>,
      %swap3A_284 = arith.index_cast %add3A_255 : i32 to index
      %swap3A_285 = arith.constant 16 : index
      %swap3A_286 = tpu.vector_load %arg7[%swap3A_284, %swap3A_285] {strides = array<i32>} : memref<128x64xf32, #tpu.memory_space<vmem>>, vector<1x16xf32>,
      %swap3A_287 = vector.shape_cast %swap3A_286 : vector<1x16xf32> to vector<16xf32>
      %swap3A_288 = vector.shape_cast %scan3A_277#1 : vector<16xf32> to vector<1x16xf32>
      tpu.vector_store %arg7[%swap3A_284, %swap3A_285], %swap3A_288 {strides = array<i32>} : memref<128x64xf32, #tpu.memory_space<vmem>>, vector<1x16xf32>,
      %swap3A_289 = arith.index_cast %add3A_255 : i32 to index
      %swap3A_290 = arith.constant 32 : index
      %swap3A_291 = tpu.vector_load %arg7[%swap3A_289, %swap3A_290] {strides = array<i32>} : memref<128x64xf32, #tpu.memory_space<vmem>>, vector<1x16xf32>,
      %swap3A_292 = vector.shape_cast %swap3A_291 : vector<1x16xf32> to vector<16xf32>
      %swap3A_293 = vector.shape_cast %scan3A_277#2 : vector<16xf32> to vector<1x16xf32>
      tpu.vector_store %arg7[%swap3A_289, %swap3A_290], %swap3A_293 {strides = array<i32>} : memref<128x64xf32, #tpu.memory_space<vmem>>, vector<1x16xf32>,
      %swap3A_294 = arith.index_cast %add3A_255 : i32 to index
      %swap3A_295 = arith.constant 48 : index
      %swap3A_296 = tpu.vector_load %arg7[%swap3A_294, %swap3A_295] {strides = array<i32>} : memref<128x64xf32, #tpu.memory_space<vmem>>, vector<1x16xf32>,
      %swap3A_297 = vector.shape_cast %swap3A_296 : vector<1x16xf32> to vector<16xf32>
      %swap3A_298 = vector.shape_cast %scan3A_277#3 : vector<16xf32> to vector<1x16xf32>
      tpu.vector_store %arg7[%swap3A_294, %swap3A_295], %swap3A_298 {strides = array<i32>} : memref<128x64xf32, #tpu.memory_space<vmem>>, vector<1x16xf32>,
      %add3A_299 = arith.constant 4 : i32
      %add3A_300 = arith.addi %add3A_255, %add3A_299 : i32
      %lt3A_301 = arith.constant 128 : i32
      %lt3A_302 = arith.cmpi slt, %add3A_300, %lt3A_301 : i32
      %convert_element_type3A_303 = arith.extui %lt3A_302 : i1 to i32
      %cond3A_304 = arith.constant 0 : i32
      %cond3A_305 = arith.cmpi ne, %convert_element_type3A_303, %cond3A_304 : i32
      scf.if %cond3A_305 {
        %mul3A_306 = arith.constant 256 : i32
        %mul3A_307 = arith.muli %add3A_300, %mul3A_306 : i32
        %dma_start3A_308 = arith.constant 3 : i32
        %dma_start3A_309 = arith.constant 0 : i32
        %dma_start3A_310 = arith.constant 0 : i32
        %dma_start3A_311 = tpu.memref_slice %arg6[%dma_start3A_308, %dma_start3A_309, %dma_start3A_310] : memref<4x200x64xf32, #tpu.memory_space<vmem>> -> memref<1x104x64xf32, #tpu.memory_space<vmem>>
        %dma_start3A_312 = tpu.memref_squeeze %dma_start3A_311 : memref<1x104x64xf32, #tpu.memory_space<vmem>> -> memref<104x64xf32, #tpu.memory_space<vmem>>
        %dma_start3A_313 = tpu.memref_slice %arg5[%mul3A_307] : memref<32768xi32, #tpu.memory_space<vmem>> -> memref<104xi32, #tpu.memory_space<vmem>>
        %dma_start3A_314 = arith.constant 0 : i32
        %dma_start3A_315 = arith.constant 0 : i32
        %dma_start3A_316 = tpu.memref_slice %arg3[%dma_start3A_314, %dma_start3A_315] : memref<1015808x64xf32, #tpu.memory_space<hbm>> -> memref<1015808x64xf32, #tpu.memory_space<hbm>>
        tpu.enqueue_indirect_dma source(%dma_start3A_316 : memref<1015808x64xf32, #tpu.memory_space<hbm>>) target(%dma_start3A_312 : memref<104x64xf32, #tpu.memory_space<vmem>>) offsets(%dma_start3A_313 : memref<104xi32, #tpu.memory_space<vmem>>) semaphore(%arg11 : memref<!tpu.dma_semaphore, #tpu.memory_space<semaphore_mem>>)
        %mul3A_317 = arith.constant 256 : i32
        %mul3A_318 = arith.muli %add3A_300, %mul3A_317 : i32
        %add3A_319 = arith.constant 104 : i32
        %add3A_320 = arith.addi %mul3A_318, %add3A_319 : i32
        %dma_start3A_321 = arith.constant 3 : i32
        %dma_start3A_322 = arith.constant 104 : i32
        %dma_start3A_323 = arith.constant 0 : i32
        %dma_start3A_324 = tpu.memref_slice %arg6[%dma_start3A_321, %dma_start3A_322, %dma_start3A_323] : memref<4x200x64xf32, #tpu.memory_space<vmem>> -> memref<1x96x64xf32, #tpu.memory_space<vmem>>
        %dma_start3A_325 = tpu.memref_squeeze %dma_start3A_324 : memref<1x96x64xf32, #tpu.memory_space<vmem>> -> memref<96x64xf32, #tpu.memory_space<vmem>>
        %dma_start3A_326 = tpu.memref_slice %arg5[%add3A_320] : memref<32768xi32, #tpu.memory_space<vmem>> -> memref<96xi32, #tpu.memory_space<vmem>>
        %dma_start3A_327 = arith.constant 0 : i32
        %dma_start3A_328 = arith.constant 0 : i32
        %dma_start3A_329 = tpu.memref_slice %arg3[%dma_start3A_327, %dma_start3A_328] : memref<1015808x64xf32, #tpu.memory_space<hbm>> -> memref<1015808x64xf32, #tpu.memory_space<hbm>>
        tpu.enqueue_indirect_dma source(%dma_start3A_329 : memref<1015808x64xf32, #tpu.memory_space<hbm>>) target(%dma_start3A_325 : memref<96x64xf32, #tpu.memory_space<vmem>>) offsets(%dma_start3A_326 : memref<96xi32, #tpu.memory_space<vmem>>) semaphore(%arg11 : memref<!tpu.dma_semaphore, #tpu.memory_space<semaphore_mem>>)
      } else {
      }
    }
    %scan3A_92 = arith.constant 32 : i32
    %mul3A_93 = arith.constant 128 : i32
    %mul3A_94 = arith.muli %add3A, %mul3A_93 : i32
    "tpu.region"() ({
      %run_scoped3A = tpu.sem_alloc : memref<!tpu.dma_semaphore, #tpu.memory_space<semaphore_mem>>
      %dma_start3A_95 = arith.constant 0 : i32
      %dma_start3A_96 = tpu.memref_slice %arg4[%mul3A_94, %dma_start3A_95] : memref<4096x64xf32, #tpu.memory_space<hbm>> -> memref<128x64xf32, #tpu.memory_space<hbm>>
      %dma_start3A_97 = arith.constant 0 : i32
      %dma_start3A_98 = tpu.memref_slice %arg4[%mul3A_94, %dma_start3A_97] : memref<4096x64xf32, #tpu.memory_space<hbm>> -> memref<128x64xf32, #tpu.memory_space<hbm>>
      tpu.enqueue_dma source(%arg7 : memref<128x64xf32, #tpu.memory_space<vmem>>) target(%dma_start3A_98 : memref<128x64xf32, #tpu.memory_space<hbm>>) target_semaphore(%run_scoped3A : memref<!tpu.dma_semaphore, #tpu.memory_space<semaphore_mem>>)
      %dma_wait3A = arith.constant 0 : i32
      %dma_wait3A_99 = tpu.memref_slice %arg4[%mul3A_94, %dma_wait3A] : memref<4096x64xf32, #tpu.memory_space<hbm>> -> memref<128x64xf32, #tpu.memory_space<hbm>>
      %dma_wait3A_100 = arith.constant 0 : i32
      %dma_wait3A_101 = tpu.memref_slice %arg4[%mul3A_94, %dma_wait3A_100] : memref<4096x64xf32, #tpu.memory_space<hbm>> -> memref<128x64xf32, #tpu.memory_space<hbm>>
      tpu.wait_dma2 semaphore(%run_scoped3A : memref<!tpu.dma_semaphore, #tpu.memory_space<semaphore_mem>>) src(%arg7 : memref<128x64xf32, #tpu.memory_space<vmem>>) dst(%dma_wait3A_101 : memref<128x64xf32, #tpu.memory_space<hbm>>)
      tpu.yield
    }) : () -> ()
    return
  }
}

module attributes {stable_mosaic.version = 14 : i64} {
  func.func @_flat_body(%arg0: memref<4096x200xi32, #tpu.memory_space<vmem>>, %arg1: memref<1048576xi32, #tpu.memory_space<vmem>>) attributes {dimension_semantics = [], scalar_prefetch = 0 : i64, scratch_operands = 0 : i64, tpu.core_type = #tpu.core_type<tc>} {
    %get3A = arith.constant 0 : index
    %get3A_0 = arith.constant 0 : index
    %get3A_1 = vector.load %arg0[%get3A, %get3A_0] : memref<4096x200xi32, #tpu.memory_space<vmem>>, vector<4096x200xi32>
    %broadcast_in_dim3A = arith.constant 0 : i32
    %broadcast_in_dim3A_2 = vector.broadcast %broadcast_in_dim3A : i32 to vector<4096x56xi32>
    %concatenate3A = tpu.concatenate %get3A_1, %broadcast_in_dim3A_2 in 1 : vector<4096x200xi32>, vector<4096x56xi32> -> vector<4096x256xi32>
    %reshape3A = vector.shape_cast %concatenate3A : vector<4096x256xi32> to vector<1048576xi32>
    %swap3A = arith.constant 0 : index
    %swap3A_3 = vector.load %arg1[%swap3A] : memref<1048576xi32, #tpu.memory_space<vmem>>, vector<1048576xi32>
    tpu.vector_store %arg1[%swap3A], %reshape3A {strides = array<i32>} : memref<1048576xi32, #tpu.memory_space<vmem>>, vector<1048576xi32>,
    return
  }
}

module attributes {stable_mosaic.version = 14 : i64} {
  func.func @_tr_body(%arg0: i32, %arg1: memref<64x4096xf32, #tpu.memory_space<vmem>>, %arg2: memref<64x4096xf32, #tpu.memory_space<vmem>>, %arg3: memref<4096x128xf32, #tpu.memory_space<vmem>>) attributes {dimension_semantics = [#tpu.dimension_semantics<arbitrary>], iteration_bounds = array<i64: 124>, scalar_prefetch = 0 : i64, scratch_operands = 0 : i64, tpu.core_type = #tpu.core_type<tc>, window_params = [{transform_indices = @transform_0, window_bounds = array<i64: 64, 4096>}, {transform_indices = @transform_1, window_bounds = array<i64: 64, 4096>}, {transform_indices = @transform_2, window_bounds = array<i64: 4096, 128>}]} {
    %get3A = arith.constant 0 : index
    %get3A_0 = arith.constant 0 : index
    %get3A_1 = vector.load %arg1[%get3A, %get3A_0] : memref<64x4096xf32, #tpu.memory_space<vmem>>, vector<64x4096xf32>
    %get3A_2 = arith.constant 0 : index
    %get3A_3 = arith.constant 0 : index
    %get3A_4 = vector.load %arg2[%get3A_2, %get3A_3] : memref<64x4096xf32, #tpu.memory_space<vmem>>, vector<64x4096xf32>
    %concatenate3A = tpu.concatenate %get3A_1, %get3A_4 in 0 : vector<64x4096xf32>, vector<64x4096xf32> -> vector<128x4096xf32>
    %iota3A = tpu.iota {dimensions = array<i32: 0>} : vector<128x128xi32>
    %iota3A_5 = tpu.iota {dimensions = array<i32: 1>} : vector<128x128xi32>
    %add3A = arith.constant 0 : i32
    %add3A_6 = vector.broadcast %add3A : i32 to vector<128x128xi32>
    %add3A_7 = arith.addi %iota3A, %add3A_6 : vector<128x128xi32>
    %eq3A = arith.cmpi eq, %add3A_7, %iota3A_5 : vector<128x128xi32>
    %convert_element_type3A = arith.extui %eq3A : vector<128x128xi1> to vector<128x128xi32>
    %convert_element_type3A_8 = arith.sitofp %convert_element_type3A : vector<128x128xi32> to vector<128x128xf32>
    %dot_general3A = arith.constant dense<0.000000e+00> : vector<4096x128xf32>
    %dot_general3A_9 = tpu.matmul %concatenate3A, %convert_element_type3A_8, %dot_general3A {dimension_numbers = #tpu.dot_dimension_numbers<[0], [0], [1], [1], [0, 1, 1, 1], [], []>, transpose_lhs_hint = false} : vector<128x4096xf32>, vector<128x128xf32>, vector<4096x128xf32> -> vector<4096x128xf32>
    %swap3A = arith.constant 0 : index
    %swap3A_10 = arith.constant 0 : index
    %swap3A_11 = vector.load %arg3[%swap3A, %swap3A_10] : memref<4096x128xf32, #tpu.memory_space<vmem>>, vector<4096x128xf32>
    tpu.vector_store %arg3[%swap3A, %swap3A_10], %dot_general3A_9 {strides = array<i32>} : memref<4096x128xf32, #tpu.memory_space<vmem>>, vector<4096x128xf32>,
    return
  }
  func.func @transform_0(%arg0: i32) -> (i32, i32) {
    %c0_i32 = arith.constant 0 : i32
    %c0_i32_0 = arith.constant 0 : i32
    return %c0_i32, %arg0 : i32, i32
  }
  func.func @transform_1(%arg0: i32) -> (i32, i32) {
    %add3A = arith.constant 124 : i32
    %add3A_0 = arith.addi %arg0, %add3A : i32
    %min3A = arith.constant 244 : i32
    %min3A_1 = arith.minsi %add3A_0, %min3A : i32
    %c0_i32 = arith.constant 0 : i32
    %c0_i32_2 = arith.constant 0 : i32
    return %c0_i32, %min3A_1 : i32, i32
  }
  func.func @transform_2(%arg0: i32) -> (i32, i32) {
    %c0_i32 = arith.constant 0 : i32
    %c0_i32_0 = arith.constant 0 : i32
    return %arg0, %c0_i32 : i32, i32
  }
}

module attributes {stable_mosaic.version = 14 : i64} {
  func.func @_mlp_body(%arg0: memref<4096x64xf32, #tpu.memory_space<vmem>>, %arg1: memref<64x64xf32, #tpu.memory_space<vmem>>, %arg2: memref<1x64xf32, #tpu.memory_space<vmem>>, %arg3: memref<64x64xf32, #tpu.memory_space<vmem>>, %arg4: memref<1x64xf32, #tpu.memory_space<vmem>>, %arg5: memref<64x1xf32, #tpu.memory_space<vmem>>, %arg6: memref<1x1xf32, #tpu.memory_space<vmem>>, %arg7: memref<4096x1xf32, #tpu.memory_space<vmem>>) attributes {dimension_semantics = [], scalar_prefetch = 0 : i64, scratch_operands = 0 : i64, tpu.core_type = #tpu.core_type<tc>} {
    %get3A = arith.constant 0 : index
    %get3A_0 = arith.constant 0 : index
    %get3A_1 = vector.load %arg0[%get3A, %get3A_0] : memref<4096x64xf32, #tpu.memory_space<vmem>>, vector<4096x64xf32>
    %mul3A = arith.constant 5.000000e-03 : f32
    %mul3A_2 = vector.broadcast %mul3A : f32 to vector<4096x64xf32>
    %mul3A_3 = arith.mulf %get3A_1, %mul3A_2 : vector<4096x64xf32>
    %get3A_4 = arith.constant 0 : index
    %get3A_5 = arith.constant 0 : index
    %get3A_6 = vector.load %arg1[%get3A_4, %get3A_5] : memref<64x64xf32, #tpu.memory_space<vmem>>, vector<64x64xf32>
    %dot_general3A = arith.constant dense<0.000000e+00> : vector<4096x64xf32>
    %dot_general3A_7 = tpu.matmul %mul3A_3, %get3A_6, %dot_general3A {dimension_numbers = #tpu.dot_dimension_numbers<[1], [0], [0], [1], [0, 0, 1, 1], [], []>, transpose_lhs_hint = false} : vector<4096x64xf32>, vector<64x64xf32>, vector<4096x64xf32> -> vector<4096x64xf32>
    %get3A_8 = arith.constant 0 : index
    %get3A_9 = arith.constant 0 : index
    %get3A_10 = vector.load %arg2[%get3A_8, %get3A_9] : memref<1x64xf32, #tpu.memory_space<vmem>>, vector<1x64xf32>
    %add3A = vector.broadcast %get3A_10 : vector<1x64xf32> to vector<4096x64xf32>
    %add3A_11 = arith.addf %dot_general3A_7, %add3A : vector<4096x64xf32>
    %max3A = arith.constant 0.000000e+00 : f32
    %max3A_12 = vector.broadcast %max3A : f32 to vector<4096x64xf32>
    %max3A_13 = arith.maximumf %add3A_11, %max3A_12 : vector<4096x64xf32>
    %get3A_14 = arith.constant 0 : index
    %get3A_15 = arith.constant 0 : index
    %get3A_16 = vector.load %arg3[%get3A_14, %get3A_15] : memref<64x64xf32, #tpu.memory_space<vmem>>, vector<64x64xf32>
    %dot_general3A_17 = arith.constant dense<0.000000e+00> : vector<4096x64xf32>
    %dot_general3A_18 = tpu.matmul %max3A_13, %get3A_16, %dot_general3A_17 {dimension_numbers = #tpu.dot_dimension_numbers<[1], [0], [0], [1], [0, 0, 1, 1], [], []>, transpose_lhs_hint = false} : vector<4096x64xf32>, vector<64x64xf32>, vector<4096x64xf32> -> vector<4096x64xf32>
    %get3A_19 = arith.constant 0 : index
    %get3A_20 = arith.constant 0 : index
    %get3A_21 = vector.load %arg4[%get3A_19, %get3A_20] : memref<1x64xf32, #tpu.memory_space<vmem>>, vector<1x64xf32>
    %add3A_22 = vector.broadcast %get3A_21 : vector<1x64xf32> to vector<4096x64xf32>
    %add3A_23 = arith.addf %dot_general3A_18, %add3A_22 : vector<4096x64xf32>
    %max3A_24 = arith.constant 0.000000e+00 : f32
    %max3A_25 = vector.broadcast %max3A_24 : f32 to vector<4096x64xf32>
    %max3A_26 = arith.maximumf %add3A_23, %max3A_25 : vector<4096x64xf32>
    %get3A_27 = arith.constant 0 : index
    %get3A_28 = arith.constant 0 : index
    %get3A_29 = vector.load %arg5[%get3A_27, %get3A_28] : memref<64x1xf32, #tpu.memory_space<vmem>>, vector<64x1xf32>
    %dot_general3A_30 = arith.constant dense<0.000000e+00> : vector<4096x1xf32>
    %dot_general3A_31 = tpu.matmul %max3A_26, %get3A_29, %dot_general3A_30 {dimension_numbers = #tpu.dot_dimension_numbers<[1], [0], [0], [1], [0, 0, 1, 1], [], []>, transpose_lhs_hint = false} : vector<4096x64xf32>, vector<64x1xf32>, vector<4096x1xf32> -> vector<4096x1xf32>
    %get3A_32 = arith.constant 0 : index
    %get3A_33 = arith.constant 0 : index
    %get3A_34 = vector.load %arg6[%get3A_32, %get3A_33] : memref<1x1xf32, #tpu.memory_space<vmem>>, vector<1x1xf32>
    %add3A_35 = vector.broadcast %get3A_34 : vector<1x1xf32> to vector<4096x1xf32>
    %add3A_36 = arith.addf %dot_general3A_31, %add3A_35 : vector<4096x1xf32>
    %swap3A = arith.constant 0 : index
    %swap3A_37 = arith.constant 0 : index
    %swap3A_38 = vector.load %arg7[%swap3A, %swap3A_37] : memref<4096x1xf32, #tpu.memory_space<vmem>>, vector<4096x1xf32>
    tpu.vector_store %arg7[%swap3A, %swap3A_37], %add3A_36 {strides = array<i32>} : memref<4096x1xf32, #tpu.memory_space<vmem>>, vector<4096x1xf32>,
    return
  }
}

</mosaic_0001>

<sc_bundles>
// kernel: kernel.6.cloned.1.call-start
scs
__scs_entry_jumppad:
0x0: {  	(pc) =	sbr.rel $0x88, $3  }
0x1: {  	(tag) =	ssettag $0x0;
	lr =	simm.s32 $0x1  }
0x2: {  	[smem:$0x3F99] =	sst lr;
	_ =	strace $0xD0000000  }
0x3: {  	_ = 	snop  }
0x4: {  	_ = 	snop  }
0x5: {  	_ = 	snop  }
0x6: {  	_ = 	snop  }
0x7: {  	_ = 	snop  }
__scs_overlays_trampoline_lowered:
0x8: {  	[smem:$0x3FA8] =	sst s0  }
0x9: {  	[smem:$0x3FA9] =	sst s1  }
0xa: {  	[smem:$0x3FAA] =	sst s2  }
0xb: {  	[smem:$0x3FAB] =	sst s3  }
0xc: {  	[smem:$0x3FAC] =	sst s4  }
0xd: {  	[smem:$0x3FAD] =	sst s5  }
0xe: {  	[smem:$0x3FAE] =	sst s6  }
0xf: {  	[smem:$0x3FAF] =	sst s7  }
0x10: {  	[smem:$0x3FB0] =	sst s8  }
0x11: {  	[smem:$0x3FB1] =	sst s9;
	s0 =	simm.s32 @!p0 $0x0  }
0x12: {  	s1 =	sld [smem:$0x3F97];
	s0 =	simm.s32 @p0 $0x1  }
0x13: {  	[smem:$0x3FB2] =	sst s0;
	s0 =	simm.s32 @!p1 $0x0  }
0x14: {  	s2 =	sld [smem:$0x3F96];
	s0 =	simm.s32 @p1 $0x1  }
0x15: {  	[smem:$0x3FB3] =	sst s0;
	s0 =	simm.s32 @!p2 $0x0  }
0x16: {  	s3 =	sld [smem:$0x3FDB];
	s0 =	simm.s32 @p2 $0x1  }
0x17: {  	s4 =	simm.s32 $0x1BF5;
	[smem:$0x3FB5] =	sst s0  }
0x18: {  	s0 =	sld [smem:$0x3F98];
	_ =	swait.ge [sflag:s4], $0x0  }
0x19: {  	s7 =	sld [smem:$0x3F99]  }
0x1a: {  	s8 =	sadd.s32 $0xFFFFE003, lr  }
0x1b: {  	s9 =	sadd.s32 $0xFFFFFEF7, lr;
	s5 =	simm.s32 $0xFFFFFFFF;
	p2 =	slt.u32 s8, $0xFFFFF086  }
0x1c: {  	p1 =	slt.u32 s9, $0xF7A;
	s5 =	simm.s32 @!p2 $0x0  }
0x1d: {  	s5 =	simm.s32 @p1 $0x1;
	p0 =	seq.s32 s7, s2  }
0x1e: {  	s7 =	smul.u32 @!p0 $0xF7A, s2;
	p2 =	seq.s32 @!p0 s5, $0x0  }
0x1f: {  	s9 =	smul.u32 $0xF7A, s1;
	s8 =	simm.s32 @!p0 $0x1BF5;
	p2 =	por !p2, p0  }
0x20: {  	[sflag:s8] =	ssyncset.s32 @!p0 $0xFFFFF086;
	s6 =	sadd.s32 @!p0 s3, s7;
	s7 =	simm.s32 @!p0 $0x108  }
0x21: {  	s3 =	sadd.s32 s3, s9;
	s6 =	sadd.s32 @!p0 $0x88, s6;
	s7 =	simm.s32 @p2 $0x1082  }
0x22: {  	[simem:s7], [sflag:s8] =	dma.local @!p0 [hbm:s6], $0xF7A  }
0x23: {  	s9 =	sor.u32 $0xD0000000, s2;
	s6 =	simm.s32 $0x108;
	_ =	swait.ge @!p0 [sflag:s8], $0x0  }
0x24: {  	s3 =	sadd.s32 $0x88, s3;
	s6 =	simm.s32 @!p1 $0x1082;
	[sflag:s4] =	ssyncset.s32 $0xFFFFF086  }
0x25: {  	[simem:s6], [sflag:s4] =	dma.local [hbm:s3], $0xF7A  }
0x26: {  	[smem:$0x3F99] =	sst s1;
	(tag) =	ssettag s2;
	_ =	strace s9  }
0x27: {  	s1 =	sld [smem:$0x3FA9]  }
0x28: {  	s2 =	sld [smem:$0x3FAA]  }
0x29: {  	s4 =	sld [smem:$0x3FAC]  }
0x2a: {  	p0 =	seq.s32 s5, $0x0;
	s5 =	sld [smem:$0x3FAD]  }
0x2b: {  	s6 =	sld [smem:$0x3FAE]  }
0x2c: {  	s7 =	sld [smem:$0x3FAF]  }
0x2d: {  	s3 =	simm.s32 $0x108;
	s8 =	sld [smem:$0x3FB0]  }
0x2e: {  	s3 =	simm.s32 @!p0 $0x1082;
	s9 =	sld [smem:$0x3FB1]  }
0x2f: {  	lr =	sadd.s32 s0, s3;
	s0 =	sld [smem:$0x3FA8]  }
0x30: {  	s3 =	sld [smem:$0x3FAB]  }
0x31: {  	[smem:$0x3FB4] =	sst s10  }
0x32: {  	s10 =	sld [smem:$0x3FB2];
	_ =	sdelay $0x3  }
0x33: {  	p0 =	seq.s32 s10, $0x1;
	s10 =	sld [smem:$0x3FB4];
	_ =	sdelay $0x3  }
0x34: {  	[smem:$0x3FB4] =	sst s10  }
0x35: {  	s10 =	sld [smem:$0x3FB3];
	_ =	sdelay $0x3  }
0x36: {  	p1 =	seq.s32 s10, $0x1;
	s10 =	sld [smem:$0x3FB4];
	_ =	sdelay $0x3  }
0x37: {  	[smem:$0x3FB4] =	sst s10  }
0x38: {  	s10 =	sld [smem:$0x3FB5]  }
0x39: {  	_ = 	snop;
	(pc) =	sbr.ind lr, $3  }
0x3a: {  	_ = 	snop  }
0x3b: {  	_ = 	snop  }
0x3c: {  	p2 =	seq.s32 s10, $0x1;
	s10 =	sld [smem:$0x3FB4]  }
0x3d: {  	_ =	shalt  }
0x3e: {  	_ =	shalt  }
0x3f: {  	_ =	shalt  }
0x40: {  	_ =	shalt  }
0x41: {  	_ =	shalt  }
0x42: {  	_ =	shalt  }
0x43: {  	_ =	shalt  }
0x44: {  	_ =	shalt  }
0x45: {  	_ =	shalt  }
0x46: {  	_ =	shalt  }
0x47: {  	_ =	shalt  }
0x48: {  	_ =	shalt  }
0x49: {  	_ =	shalt  }
0x4a: {  	_ =	shalt  }
0x4b: {  	_ =	shalt  }
0x4c: {  	_ =	shalt  }
0x4d: {  	_ =	shalt  }
0x4e: {  	_ =	shalt  }
0x4f: {  	_ =	shalt  }
0x50: {  	_ =	shalt  }
0x51: {  	_ =	shalt  }
0x52: {  	_ =	shalt  }
0x53: {  	_ =	shalt  }
0x54: {  	_ =	shalt  }
0x55: {  	_ =	shalt  }
0x56: {  	_ =	shalt  }
0x57: {  	_ =	shalt  }
0x58: {  	_ =	shalt  }
0x59: {  	_ =	shalt  }
0x5a: {  	_ =	shalt  }
0x5b: {  	_ =	shalt  }
0x5c: {  	_ =	shalt  }
0x5d: {  	_ =	shalt  }
0x5e: {  	_ =	shalt  }
0x5f: {  	_ =	shalt  }
0x60: {  	_ =	shalt  }
0x61: {  	_ =	shalt  }
0x62: {  	_ =	shalt  }
0x63: {  	_ =	shalt  }
0x64: {  	_ =	shalt  }
0x65: {  	_ =	shalt  }
0x66: {  	_ =	shalt  }
0x67: {  	_ =	shalt  }
0x68: {  	_ =	shalt  }
0x69: {  	_ =	shalt  }
0x6a: {  	_ =	shalt  }
0x6b: {  	_ =	shalt  }
0x6c: {  	_ =	shalt  }
0x6d: {  	_ =	shalt  }
0x6e: {  	_ =	shalt  }
0x6f: {  	_ =	shalt  }
0x70: {  	_ =	shalt  }
0x71: {  	_ =	shalt  }
0x72: {  	_ =	shalt  }
0x73: {  	_ =	shalt  }
0x74: {  	_ =	shalt  }
0x75: {  	_ =	shalt  }
0x76: {  	_ =	shalt  }
0x77: {  	_ =	shalt  }
0x78: {  	_ =	shalt  }
0x79: {  	_ =	shalt  }
0x7a: {  	_ =	shalt  }
0x7b: {  	_ =	shalt  }
0x7c: {  	_ =	shalt  }
0x7d: {  	_ =	shalt  }
0x7e: {  	_ =	shalt  }
0x7f: {  	_ =	shalt  }
0x80: {  	_ =	shalt  }
0x81: {  	_ =	shalt  }
0x82: {  	_ =	shalt  }
0x83: {  	_ =	shalt  }
0x84: {  	_ =	shalt  }
0x85: {  	_ =	shalt  }
0x86: {  	_ =	shalt  }
0x87: {  	_ =	shalt  }
.Lfunc_end0:
.L_simem_size_0:
called_computation_lowered:
.L_overlay_start_0:
0x88: {  	s2 =	sld [smem:$0x3FD9]  }
0x89: {  	s3 =	sld [smem:$0x3FFE];
	_ =	sdelay $0x1  }
0x8a: {  	s1 =	srdreg.scid  }
0x8b: {  	s0 =	sand.u32 $0x1, s1  }
0x8c: {  	s16 =	sshll.u32 s0, $0xA;
	s2 =	sadd.s32 s3, s2  }
0x8d: {  	s2 =	sadd.s32 s2, s16  }
0x8e: {  	[smem:$0x3FC0] =	sst s2  }
0x8f: {  	_ = 	snop  }
0x90: {  	(tm) =	ssettm $0x1  }
0x91: {  	s17 =	sld [smem:$0x3FFB];
	_ =	sdelay $0x3  }
0x92: {  	_ =	strace s17  }
0x93: {  	s2 =	sld [smem:$0x3FFC];
	_ =	sdelay $0x3  }
0x94: {  	_ =	strace s2  }
0x95: {  	s2 =	sld [smem:$0x3FFD];
	_ =	sdelay $0x3  }
0x96: {  	_ =	strace s2  }
0x97: {  	_ =	strace $0x8FFFFFFF  }
0x98: {  	s18 =	sld [smem:$0x3FDB];
	_ =	sdelay $0x1  }
0x99: {  	s19 =	simm.s32 $_scs_section_size  }
0x9a: {  	s4 =	simm.s32 $_size__tile_overlayer_lowered;
	s5 =	simm.s32 $_tile_overlayer_lowered  }
0x9b: {  	s22 =	simm.s32 $0x1BFF;
	s21 =	sshll.u32 s5, $0x1;
	s2 =	sadd.s32 s19, s18  }
0x9c: {  	s6 =	simm.s32 $0x0;
	s20 =	sshll.u32 s4, $0x1;
	s4 =	sadd.s32 s21, s2  }
0x9d: {  	[timem:s6], [sflag:s22] =	dma.local [hbm:s4], s20  }
0x9e: {  	_ =	swait.ge [sflag:s22], s20  }
0x9f: {  	s3 =	ssub.s32 $0x0, s20;
	[sflag:s22] =	ssyncset.done $0x0  }
0xa0: {  	[sflag:s22] =	ssyncadd.s32 s3;
	_ =	sdelay $0x1  }
0xa1: {  	s23 =	simm.s32 $0x1B8B  }
0xa2: {  	_ =	swait.ge [sflag:s23], $0x1  }
0xa3: {  	[sflag:s23] =	ssyncset.done $0x0  }
0xa4: {  	s25 =	simm.s32 $0x1B8E;
	s24 =	sld [smem:$0x3FFE];
	[sflag:s23] =	ssyncadd.s32 $0xFFFFFFFF  }
0xa5: {  	s26 =	simm.s32 $execute0_lowered;
	[smem:$0x3FD2] =	sst s25  }
0xa6: {  	s4 =	sshll.u32 s26, $0x1;
	_ =	strace $0x80000046;
	[dreg:$0x1] =	wrdreg $0xFFFFFFFF  }
0xa7: {  	s28 =	simm.s32 $_size_execute0_lowered;
	s2 =	sadd.s32 s2, s4;
	[dreg:$0x0] =	wrdreg $0x0  }
0xa8: {  	s4 =	sshll.u32 s28, $0x1;
	[dreg:$0x2] =	wrdreg s2  }
0xa9: {  	[dreg:$0x3] =	wrdreg s4  }
0xaa: {  	[dreg:$0x4] =	wrdreg $0xC0  }
0xab: {  	_ =	task [dreg:s6], $0x5FFFF  }
0xac: {  	[dreg:$0x1] =	wrdreg $0xFFFFFFFF  }
0xad: {  	[dreg:$0x0] =	wrdreg $0x60  }
0xae: {  	[dreg:$0x2] =	wrdreg s24  }
0xaf: {  	[dreg:$0x3] =	wrdreg $0x9  }
0xb0: {  	_ =	task.clear_ibuf [dreg:s6], $0x4FFFF;
	_ =	strace $0x90000046  }
0xb1: {  	s29 =	simm.s32 $0x9;
	_ =	strace $0x80000048  }
0xb2: {  	_ =	swait.ge [sflag:s29], $0x1  }
0xb3: {  	[sflag:s29] =	ssyncadd.s32 $0xFFFFFFFF  }
0xb4: {  	_ =	strace $0x90000048  }
0xb5: {  	_ =	sfence  }
0xb6: {  	s30 =	sld [smem:$0x0];
	_ =	sdelay $0x2  }
0xb7: {  	s31 =	sshll.u32 s1, $0xD;
	s1 =	sshrl.u32 s1, $0x2  }
0xb8: {  	s3 =	sand.u32 $0x4000, s31;
	s1 =	sadd.s32 s1, s30  }
0xb9: {  	s0 =	sor.u32 s3, s0;
	s1 =	sshll.u32 s1, $0x11  }
0xba: {  	s0 =	sor.u32 s1, s0  }
0xbb: {  	s0 =	sadd.s32 $0x8F2B, s0  }
0xbc: {  	[sflag:s0] =	ssyncadd.remote.s32 $0x1  }
0xbd: {  	_ =	sfence.sel $0xFFFF  }
0xbe: {  	[dreg:$0x0] =	wrdreg $0xFFFFFFFF;
	(pc) =	sbr.abs _section_cstart, $3  }
0xbf: {  	[dreg:$0x1] =	wrdreg $0xFFFFFFFF  }
0xc0: {  	_ =	task.clear_ibuf [dreg:s6], $0x2FFFF;
	_ =	strace $0x9FFFFFFF  }
0xc1: {  	(tm) =	ssettm $0x7FFFFFFF  }
tec
execute0_lowered:
.L_overlay_start_1:
0x0: {  	(tag) =	ssettag $0x1  }
0x1: {  	s0 =	rddreg [dreg:$0x0];
	s1 =	srdreg.scid  }
0x2: {  	s3 =	stileid.u32;
	s2 =	simm.s32 $0x0;
	s7 =	simm.s32 $0x5  }
0x3: {  	s8 =	simm.s32 $0x68;
	s10 =	simm.s32 $0x60;
	s13 =	simm.s32 $0xB200  }
0x4: {  	s14 =	simm.s32 $0x168;
	s15 =	simm.s32 $0xCC00;
	s16 =	simm.s32 $0x200  }
0x5: {  	s17 =	simm.s32 $0xE400;
	s18 =	simm.s32 $0x268;
	s19 =	simm.s32 $0xFE00  }
0x6: {  	s20 =	simm.s32 $0x300;
	s21 =	simm.s32 $0x11600;
	s22 =	simm.s32 $0x368  }
0x7: {  	s23 =	simm.s32 $0x13000;
	s24 =	simm.s32 $0x1;
	s25 =	simm.s32 $0x2  }
0x8: {  	s26 =	simm.s32 $0x3;
	s28 =	simm.s32 $0x4;
	s29 =	simm.s32 $0x14800  }
0x9: {  	s30 =	simm.s32 $0x0;
	s1 =	sand.u32 $0x1, s1;
	s3 =	sshll.u32 s3, $0x1  }
.Ltmp0:
0xa: {  	[smem:$0x7FF] =	sst s2;
	s3 =	sor.u32 s1, s3;
	(pc) =	sbr.rel .LBB2_1-.Ltmp0, $4  }
0xb: {  	_ =	strace $0x80000047;
	s1 =	ssub.s32 $0x2, s1;
	s4 =	sshll.u32 s3, $0xC  }
0xc: {  	s5 =	sshll.u32 s3, $0xA;
	s3 =	sadd.s32 $0x21000, s0;
	s31 =	sshrl.u32 s1, $0x1  }
0xd: {  	s4 =	sadd.s32 s4, s0;
	s0 =	sadd.s32 s5, s0;
	s1 =	ssub.s32 s1, s31  }
0xe: {  	s4 =	sadd.s32 $0x1000, s4;
	s5 =	sadd.s32 $0x7E1000, s0;
	s6 =	smax.u32 s1, $0x1  }
.LBB2_14:
0xf: {  	s30 =	sadd.s32 $0x1, s30  }
0x10: {  	p0 =	sne.s32 s30, s6  }
.Ltmp1:
0x11: {  	_ = 	snop;
	(pc) =	sbr.rel @!p0 .LBB2_15-.Ltmp1, $4  }
0x12: {  	[hbm4b:s5+s2] =	stream.linear.scatter [tilespmem:s29], [sflag:$0x5], $0x2000, $0x38;
	[tilespmem:$0x16800] =	vst v63  }
0x13: {  	_ =	swait.ge [sflag:s7], $0x2000  }
0x14: {  	[sflag:s7] =	ssyncset.done $0x0  }
0x15: {  	[sflag:s7] =	ssyncadd.s32 $0xFFFFE000  }
.LBB2_1:
0x16: {  	[tilespmem:s2], [sflag:$0x5] =	stream.linear.gather [hbm4b:s4+s2], $0x8000, $0x38;
	[tilespmem:$0x16800] =	vst v63  }
0x17: {  	_ =	swait.ge [sflag:s7], $0x8000  }
0x18: {  	[sflag:s7] =	ssyncset.done $0x0  }
0x19: {  	s0 =	simm.s32 $0x0;
	s1 =	simm.s32 $0x40;
	[sflag:s7] =	ssyncadd.s32 $0xFFFF8000  }
.LBB2_2:
0x1a: {  	p0 =	sne.s32 s1, $0x1FFC0;
	v0 =	vld [tilespmem:s0+$0x0];
	_ =	sdelay $0x3  }
.Ltmp2:
0x1b: {  	(pc) =	sbr.rel @p0 .LBB2_2-.Ltmp2, $4  }
0x1c: {  	v1 =	vshll.u32 v0, $0x1  }
0x1d: {  	vm0 =	vgt.s32 v0, $0x7BFFF;
	v0 =	vadd.s32 $0xFFF08001, v1  }
0x1e: {  	v0 =	vsel vm0, v0, v1  }
0x1f: {  	[tilespmem:s0+$0x0] =	vst v0;
	s0 =	sshra.s32 s1, $0x2;
	s1 =	sadd.s32 $0x40, s1  }
0x20: {  	v0 =	vld [tilespmem:s0+$0x0];
	_ =	sdelay $0x4  }
0x21: {  	v1 =	vshll.u32 v0, $0x1  }
0x22: {  	vm0 =	vgt.s32 v0, $0x7BFFF;
	v63 =	vadd.s32 $0xFFF08001, v1  }
0x23: {  	v0 =	vsel vm0, v63, v1  }
0x24: {  	s31 =	simm.s32 $0x0;
	s9 =	simm.s32 $0x8000;
	[tilespmem:s0+$0x0] =	vst v0  }
0x25: {  	[tilespmem:s9], [sflag:$0x1] =	stream.indirect.gather [hbm4b:s3+s8], $0x40, s31, s8, $0xb8;
	[tilespmem:$0x16800] =	vst v63  }
0x26: {  	s11 =	simm.s32 $0x9A00  }
0x27: {  	[tilespmem:s11], [sflag:$0x1] =	stream.indirect.gather [hbm4b:s3+s10], $0x40, s8, s10, $0xb8;
	[tilespmem:$0x16800] =	vst v63  }
0x28: {  	s12 =	simm.s32 $0x100  }
0x29: {  	[tilespmem:s13], [sflag:$0x2] =	stream.indirect.gather [hbm4b:s3+s8], $0x40, s12, s8, $0xb8;
	[tilespmem:$0x16800] =	vst v63  }
0x2a: {  	_ = 	snop  }
0x2b: {  	[tilespmem:s15], [sflag:$0x2] =	stream.indirect.gather [hbm4b:s3+s10], $0x40, s14, s10, $0xb8;
	[tilespmem:$0x16800] =	vst v63  }
0x2c: {  	_ = 	snop  }
0x2d: {  	[tilespmem:s17], [sflag:$0x3] =	stream.indirect.gather [hbm4b:s3+s8], $0x40, s16, s8, $0xb8;
	[tilespmem:$0x16800] =	vst v63  }
0x2e: {  	_ = 	snop  }
0x2f: {  	[tilespmem:s19], [sflag:$0x3] =	stream.indirect.gather [hbm4b:s3+s10], $0x40, s18, s10, $0xb8;
	[tilespmem:$0x16800] =	vst v63  }
0x30: {  	_ = 	snop  }
0x31: {  	[tilespmem:s21], [sflag:$0x4] =	stream.indirect.gather [hbm4b:s3+s8], $0x40, s20, s8, $0xb8;
	[tilespmem:$0x16800] =	vst v63  }
0x32: {  	_ = 	snop  }
0x33: {  	[tilespmem:s23], [sflag:$0x4] =	stream.indirect.gather [hbm4b:s3+s10], $0x40, s22, s10, $0xb8;
	[tilespmem:$0x16800] =	vst v63  }
.LBB2_4:
0x34: {  	_ =	swait.ge [sflag:s24], $0x3200  }
0x35: {  	[sflag:s24] =	ssyncset.done $0x0  }
0x36: {  	s1 =	simm.s32 $0x0;
	[sflag:s24] =	ssyncadd.s32 $0xFFFFCE00  }
0x37: {  	v1 =	vld [tilespmem:s1+$0x8030]  }
0x38: {  	v2 =	vld [tilespmem:s1+$0x8000]  }
0x39: {  	v0 =	vimm.f32 $0.0e+00;
	v3 =	vld [tilespmem:s1+$0x8010]  }
0x3a: {  	s0 =	simm.s32 $0x100;
	v7 =	vimm.f32 $0.0e+00;
	v6 =	vimm.f32 $0.0e+00;
	v5 =	vimm.f32 $0.0e+00;
	v4 =	vld [tilespmem:s1+$0x8020]  }
.LBB2_5:
0x3b: {  	p0 =	sne.s32 s0, $0xC700  }
.Ltmp3:
0x3c: {  	s1 =	sshra.s32 s0, $0x2;
	s0 =	sadd.s32 $0x100, s0;
	v0 =	vadd.f32 v1, v0;
	(pc) =	sbr.rel @p0 .LBB2_5-.Ltmp3, $4  }
0x3d: {  	v1 =	vld [tilespmem:s1+$0x8030];
	v7 =	vadd.f32 v2, v7  }
0x3e: {  	v2 =	vld [tilespmem:s1+$0x8000];
	v6 =	vadd.f32 v3, v6  }
0x3f: {  	v3 =	vld [tilespmem:s1+$0x8010];
	v5 =	vadd.f32 v4, v5  }
0x40: {  	v4 =	vld [tilespmem:s1+$0x8020]  }
0x41: {  	_ = 	snop  }
0x42: {  	s0 =	sshll.u32 s31, $0xA;
	v0 =	vadd.f32 v1, v0  }
0x43: {  	s1 =	sshrl.u32 s0, $0x2;
	v2 =	vadd.f32 v2, v7  }
0x44: {  	v3 =	vadd.f32 v3, v6;
	[tilespmem:s1+$0x14830] =	vst v0  }
0x45: {  	v4 =	vadd.f32 v4, v5;
	[tilespmem:s1+$0x14800] =	vst v2  }
0x46: {  	p0 =	seq.s32 s31, $0x1F;
	[tilespmem:s1+$0x14810] =	vst v3  }
0x47: {  	s9 =	sadd.s32 @!p0 $0x400, s0;
	s11 =	simm.s32 @!p0 $0x68;
	s12 =	simm.s32 @!p0 $0x8000;
	[tilespmem:s1+$0x14820] =	vst v4  }
0x48: {  	[tilespmem:s12], [sflag:$0x1] =	stream.indirect.gather @!p0 [hbm4b:s3+s11], $0x40, s9, s11, $0xb8;
	[tilespmem:$0x16800] =	vst v63  }
0x49: {  	s9 =	sadd.s32 @!p0 $0x468, s0;
	s11 =	simm.s32 @!p0 $0x60;
	s12 =	simm.s32 @!p0 $0x9A00  }
0x4a: {  	[tilespmem:s12], [sflag:$0x1] =	stream.indirect.gather @!p0 [hbm4b:s3+s11], $0x40, s9, s11, $0xb8;
	[tilespmem:$0x16800] =	vst v63  }
0x4b: {  	_ =	swait.ge [sflag:s25], $0x3200  }
0x4c: {  	[sflag:s25] =	ssyncset.done $0x0  }
0x4d: {  	s12 =	simm.s32 $0x0;
	[sflag:s25] =	ssyncadd.s32 $0xFFFFCE00  }
0x4e: {  	v1 =	vld [tilespmem:s12+$0xB230]  }
0x4f: {  	v2 =	vld [tilespmem:s12+$0xB200]  }
0x50: {  	v7 =	vimm.f32 $0.0e+00;
	v3 =	vld [tilespmem:s12+$0xB210]  }
0x51: {  	v0 =	vimm.f32 $0.0e+00;
	v6 =	vimm.f32 $0.0e+00;
	v5 =	vimm.f32 $0.0e+00;
	s9 =	simm.s32 $0x100;
	v4 =	vld [tilespmem:s12+$0xB220]  }
.LBB2_7:
0x52: {  	p1 =	sne.s32 s9, $0xC700  }
.Ltmp4:
0x53: {  	s11 =	sshra.s32 s9, $0x2;
	s9 =	sadd.s32 $0x100, s9;
	v0 =	vadd.f32 v1, v0;
	(pc) =	sbr.rel @p1 .LBB2_7-.Ltmp4, $4  }
0x54: {  	v1 =	vld [tilespmem:s11+$0xB230];
	v5 =	vadd.f32 v2, v5  }
0x55: {  	v2 =	vld [tilespmem:s11+$0xB200];
	v6 =	vadd.f32 v3, v6  }
0x56: {  	v3 =	vld [tilespmem:s11+$0xB210];
	v7 =	vadd.f32 v4, v7  }
0x57: {  	v4 =	vld [tilespmem:s11+$0xB220]  }
0x58: {  	_ = 	snop  }
0x59: {  	v0 =	vadd.f32 v1, v0  }
0x5a: {  	v2 =	vadd.f32 v2, v5  }
0x5b: {  	v3 =	vadd.f32 v3, v6;
	[tilespmem:s1+$0x14870] =	vst v0  }
0x5c: {  	v4 =	vadd.f32 v4, v7;
	[tilespmem:s1+$0x14840] =	vst v2  }
0x5d: {  	[tilespmem:s1+$0x14850] =	vst v3  }
0x5e: {  	s9 =	sadd.s32 @!p0 $0x500, s0;
	s11 =	simm.s32 @!p0 $0x68;
	s12 =	simm.s32 @!p0 $0xB200;
	[tilespmem:s1+$0x14860] =	vst v4  }
0x5f: {  	[tilespmem:s12], [sflag:$0x2] =	stream.indirect.gather @!p0 [hbm4b:s3+s11], $0x40, s9, s11, $0xb8;
	[tilespmem:$0x16800] =	vst v63  }
0x60: {  	s9 =	sadd.s32 @!p0 $0x568, s0;
	s11 =	simm.s32 @!p0 $0x60;
	s12 =	simm.s32 @!p0 $0xCC00  }
0x61: {  	[tilespmem:s12], [sflag:$0x2] =	stream.indirect.gather @!p0 [hbm4b:s3+s11], $0x40, s9, s11, $0xb8;
	[tilespmem:$0x16800] =	vst v63  }
0x62: {  	_ =	swait.ge [sflag:s26], $0x3200  }
0x63: {  	[sflag:s26] =	ssyncset.done $0x0  }
0x64: {  	s12 =	simm.s32 $0x0;
	[sflag:s26] =	ssyncadd.s32 $0xFFFFCE00  }
0x65: {  	v1 =	vld [tilespmem:s12+$0xE430]  }
0x66: {  	v2 =	vld [tilespmem:s12+$0xE400]  }
0x67: {  	v5 =	vimm.f32 $0.0e+00;
	v3 =	vld [tilespmem:s12+$0xE410]  }
0x68: {  	v0 =	vimm.f32 $0.0e+00;
	v6 =	vimm.f32 $0.0e+00;
	v7 =	vimm.f32 $0.0e+00;
	s9 =	simm.s32 $0x100;
	v4 =	vld [tilespmem:s12+$0xE420]  }
.LBB2_9:
0x69: {  	p1 =	sne.s32 s9, $0xC700  }
.Ltmp5:
0x6a: {  	s11 =	sshra.s32 s9, $0x2;
	s9 =	sadd.s32 $0x100, s9;
	v0 =	vadd.f32 v1, v0;
	(pc) =	sbr.rel @p1 .LBB2_9-.Ltmp5, $4  }
0x6b: {  	v1 =	vld [tilespmem:s11+$0xE430];
	v5 =	vadd.f32 v2, v5  }
0x6c: {  	v2 =	vld [tilespmem:s11+$0xE400];
	v6 =	vadd.f32 v3, v6  }
0x6d: {  	v3 =	vld [tilespmem:s11+$0xE410];
	v7 =	vadd.f32 v4, v7  }
0x6e: {  	v4 =	vld [tilespmem:s11+$0xE420]  }
0x6f: {  	_ = 	snop  }
0x70: {  	v0 =	vadd.f32 v1, v0  }
0x71: {  	v2 =	vadd.f32 v2, v5  }
0x72: {  	v3 =	vadd.f32 v3, v6;
	[tilespmem:s1+$0x148B0] =	vst v0  }
0x73: {  	v4 =	vadd.f32 v4, v7;
	[tilespmem:s1+$0x14880] =	vst v2  }
0x74: {  	[tilespmem:s1+$0x14890] =	vst v3  }
0x75: {  	s9 =	sadd.s32 @!p0 $0x600, s0;
	s11 =	simm.s32 @!p0 $0x68;
	s12 =	simm.s32 @!p0 $0xE400;
	[tilespmem:s1+$0x148A0] =	vst v4  }
0x76: {  	[tilespmem:s12], [sflag:$0x3] =	stream.indirect.gather @!p0 [hbm4b:s3+s11], $0x40, s9, s11, $0xb8;
	[tilespmem:$0x16800] =	vst v63  }
0x77: {  	s9 =	sadd.s32 @!p0 $0x668, s0;
	s11 =	simm.s32 @!p0 $0x60;
	s12 =	simm.s32 @!p0 $0xFE00  }
0x78: {  	[tilespmem:s12], [sflag:$0x3] =	stream.indirect.gather @!p0 [hbm4b:s3+s11], $0x40, s9, s11, $0xb8;
	[tilespmem:$0x16800] =	vst v63  }
0x79: {  	_ =	swait.ge [sflag:s28], $0x3200  }
0x7a: {  	[sflag:s28] =	ssyncset.done $0x0  }
0x7b: {  	s12 =	simm.s32 $0x0;
	[sflag:s28] =	ssyncadd.s32 $0xFFFFCE00  }
0x7c: {  	v1 =	vld [tilespmem:s12+$0x11630]  }
0x7d: {  	v2 =	vld [tilespmem:s12+$0x11600]  }
0x7e: {  	v5 =	vimm.f32 $0.0e+00;
	v3 =	vld [tilespmem:s12+$0x11610]  }
0x7f: {  	v0 =	vimm.f32 $0.0e+00;
	v6 =	vimm.f32 $0.0e+00;
	v7 =	vimm.f32 $0.0e+00;
	s9 =	simm.s32 $0x100;
	v4 =	vld [tilespmem:s12+$0x11620]  }
.LBB2_11:
0x80: {  	p1 =	sne.s32 s9, $0xC700  }
.Ltmp6:
0x81: {  	s11 =	sshra.s32 s9, $0x2;
	s9 =	sadd.s32 $0x100, s9;
	v0 =	vadd.f32 v1, v0;
	(pc) =	sbr.rel @p1 .LBB2_11-.Ltmp6, $4  }
0x82: {  	v1 =	vld [tilespmem:s11+$0x11630];
	v5 =	vadd.f32 v2, v5  }
0x83: {  	v2 =	vld [tilespmem:s11+$0x11600];
	v6 =	vadd.f32 v3, v6  }
0x84: {  	v3 =	vld [tilespmem:s11+$0x11610];
	v7 =	vadd.f32 v4, v7  }
0x85: {  	v4 =	vld [tilespmem:s11+$0x11620]  }
0x86: {  	_ = 	snop  }
0x87: {  	v0 =	vadd.f32 v1, v0  }
.Ltmp7:
0x88: {  	v2 =	vadd.f32 v2, v5;
	(pc) =	sbr.rel @p0 .LBB2_14-.Ltmp7, $4  }
0x89: {  	v3 =	vadd.f32 v3, v6;
	[tilespmem:s1+$0x148F0] =	vst v0  }
0x8a: {  	v4 =	vadd.f32 v4, v7;
	[tilespmem:s1+$0x148C0] =	vst v2  }
0x8b: {  	[tilespmem:s1+$0x148D0] =	vst v3  }
0x8c: {  	[tilespmem:s1+$0x148E0] =	vst v4  }
.Ltmp8:
0x8d: {  	(pc) =	sbr.rel .LBB2_4-.Ltmp8, $4  }
0x8e: {  	s1 =	sadd.s32 $0x700, s0  }
0x8f: {  	[tilespmem:s21], [sflag:$0x4] =	stream.indirect.gather [hbm4b:s3+s8], $0x40, s1, s8, $0xb8;
	[tilespmem:$0x16800] =	vst v63  }
0x90: {  	s12 =	sadd.s32 $0x768, s0;
	s31 =	sadd.s32 $0x1, s31  }
0x91: {  	[tilespmem:s23], [sflag:$0x4] =	stream.indirect.gather [hbm4b:s3+s10], $0x40, s12, s10, $0xb8;
	[tilespmem:$0x16800] =	vst v63  }
.LBB2_15:
0x92: {  	_ =	sfence.sel $0x180000  }
0x93: {  	[bflag:$0x0] =	sbarrier.arrive $0xFFFF  }
0x94: {  	_ =	strace $0x90000047  }
0x95: {  	s0 =	stileid.u32;
	[bflag:$0x2] =	sbarrier.arrive $0xFFFF  }
0x96: {  	p0 =	sne.s32 s0, $0x0;
	s0 =	rddreg [dreg:$0x1]  }
0x97: {  	s0 =	sadd.s32 @!p0 $0x100000, s0  }
0x98: {  	[sflag:s0] =	ssyncadd.tile.s32 @!p0 $0x1;
	_ =	shalt  }
.Lfunc_end2:
_tile_overlayer_lowered:
.L_overlay_start_2:
0x99: {  	(tag) =	ssettag $0x2  }
0x9a: {  	s0 =	rddreg [dreg:$0x0];
	s2 =	stileid.u32  }
0x9b: {  	s1 =	rddreg [dreg:$0x1];
	p0 =	sne.s32 s2, $0x0  }
0x9c: {  	s3 =	rddreg [dreg:$0x2];
	[bflag:$0x3] =	sbarrier.arrive $0xFFFF;
	s2 =	simm.s32 @!p0 $0x1C05  }
0x9d: {  	[timem:s3], [sflag:s2] =	dma.local @!p0 [hbm:s0], s1  }
0x9e: {  	s0 =	simm.s32 @!p0 $0x5  }
0x9f: {  	_ =	swait.ge @!p0 [sflag:s0], s1  }
0xa0: {  	s1 =	ssub.s32 @!p0 $0x0, s1;
	[sflag:s0] =	ssyncset.done @!p0 $0x0  }
0xa1: {  	[sflag:s0] =	ssyncadd.s32 @!p0 s1  }
0xa2: {  	[bflag:$0x3] =	sbarrier.arrive $0xFFFF  }
0xa3: {  	_ =	shalt  }

</sc_bundles>
